<compile_context>
chip_gen: v7x
topology: tpu7x:2x2x1
jax: 0.10.2.dev20260603
libtpu: 0.0.44.dev20260713+nightly
codegen_flags: <defaults>
</compile_context>

<pallas_src>
import functools

import jax
import jax.numpy as jnp
from jax import lax
from jax.experimental import pallas as pl
from jax.experimental.pallas import tpu as pltpu
from jax.experimental.pallas import tpu_sc as plsc

N = 65536
D = 64
K = 8192
DA = 72
BN = 2048
BL = 2048


def _tc_body(z_ref, cb_ref, idxf_ref, idxi_ref, table_ref, cbt_ref,
             c2h_ref):
    i = pl.program_id(0)

    @pl.when(i == 0)
    def _init():
        cb = cb_ref[...]
        cbt = cb.T
        cbt_ref[...] = cbt
        c2h_ref[...] = 0.5 * jnp.sum(cbt * cbt, axis=0, keepdims=True)
        table_ref[...] = jnp.concatenate(
            [cb, jnp.zeros((K, 128 - D), jnp.float32)], axis=1)

    z = z_ref[...]
    s = lax.dot_general(z, cbt_ref[...], (((1,), (0,)), ((), ())),
                        preferred_element_type=jnp.float32)
    u = c2h_ref[...] - s
    idx = jnp.argmin(u, axis=1).reshape(BN, 1)
    idxi_ref[...] = idx
    idxf_ref[...] = idx.astype(jnp.float32)


def _tc_distance_argmin(z_feats, codebook):
    return pl.pallas_call(
        _tc_body,
        grid=(N // BN,),
        in_specs=[
            pl.BlockSpec((BN, D), lambda i: (i, 0)),
            pl.BlockSpec((K, D), lambda i: (0, 0)),
        ],
        out_specs=[
            pl.BlockSpec((BN, 1), lambda i: (i, 0)),
            pl.BlockSpec((BN, 1), lambda i: (i, 0)),
            pl.BlockSpec((K, 128), lambda i: (0, 0)),
        ],
        out_shape=[
            jax.ShapeDtypeStruct((N, 1), jnp.float32),
            jax.ShapeDtypeStruct((N, 1), jnp.int32),
            jax.ShapeDtypeStruct((K, 128), jnp.float32),
        ],
        scratch_shapes=[
            pltpu.VMEM((D, K), jnp.float32),
            pltpu.VMEM((1, K), jnp.float32),
        ],
    )(z_feats, codebook)


def _loss_body(z_ref, q_ref, q64_ref, loss_ref):
    i = pl.program_id(0)

    @pl.when(i == 0)
    def _init():
        loss_ref[0, 0] = 0.0

    q = q_ref[:, 0:D]
    q64_ref[...] = q
    d = z_ref[...] - q
    loss_ref[0, 0] += jnp.sum(d * d) * (1.0 / (N * D))


def _tc_loss_slice(z_feats, q128):
    return pl.pallas_call(
        _loss_body,
        grid=(N // BL,),
        in_specs=[
            pl.BlockSpec((BL, D), lambda i: (i, 0)),
            pl.BlockSpec((BL, 128), lambda i: (i, 0)),
        ],
        out_specs=[
            pl.BlockSpec((BL, D), lambda i: (i, 0)),
            pl.BlockSpec((1, 1), lambda i: (0, 0), memory_space=pltpu.SMEM),
        ],
        out_shape=[
            jax.ShapeDtypeStruct((N, D), jnp.float32),
            jax.ShapeDtypeStruct((1, 1), jnp.float32),
        ],
    )(z_feats, q128)


@functools.lru_cache(maxsize=1)
def _make_sc_gather():
    nc, ns = 2, 16
    nw = nc * ns
    b_per_w = N // nw
    chunk = 256
    nchunks = b_per_w // chunk
    mesh = plsc.VectorSubcoreMesh(
        core_axis_name="c", subcore_axis_name="s", num_cores=nc)

    @functools.partial(
        pl.kernel,
        mesh=mesh,
        out_type=jax.ShapeDtypeStruct((N, 128), jnp.float32),
        scratch_types=[
            pltpu.VMEM((chunk,), jnp.int32),
            pltpu.VMEM((chunk,), jnp.int32),
            pltpu.VMEM((chunk, 128), jnp.float32),
            pltpu.VMEM((chunk, 128), jnp.float32),
            pltpu.SemaphoreType.DMA,
            pltpu.SemaphoreType.DMA,
            pltpu.SemaphoreType.DMA,
            pltpu.SemaphoreType.DMA,
        ],
    )
    def gather(table_hbm, idx_hbm, out_hbm, idx_a, idx_b, rows_a, rows_b,
               gsem_a, gsem_b, osem_a, osem_b):
        wid = lax.axis_index("s") * nc + lax.axis_index("c")
        base = wid * b_per_w
        idxs = (idx_a, idx_b)
        rows = (rows_a, rows_b)
        gsems = (gsem_a, gsem_b)
        osems = (osem_a, osem_b)
        pltpu.sync_copy(idx_hbm.at[pl.ds(base, chunk)], idx_a)
        gathers = [pltpu.async_copy(table_hbm.at[idx_a], rows_a, gsem_a)]
        outs = [None, None]
        for j in range(nchunks):
            if j + 1 < nchunks:
                b = (j + 1) % 2
                if outs[b] is not None:
                    outs[b].wait()
                    outs[b] = None
                pltpu.sync_copy(
                    idx_hbm.at[pl.ds(base + (j + 1) * chunk, chunk)],
                    idxs[b])
                gathers.append(pltpu.async_copy(
                    table_hbm.at[idxs[b]], rows[b], gsems[b]))
            gathers[j].wait()
            outs[j % 2] = pltpu.async_copy(
                rows[j % 2],
                out_hbm.at[pl.ds(base + j * chunk, chunk), :],
                osems[j % 2])
        for oc in outs:
            if oc is not None:
                oc.wait()

    return gather


def kernel(z_feats, codebook):
    idxf, idxi, table = _tc_distance_argmin(z_feats, codebook)
    q128 = _make_sc_gather()(table, idxi.reshape(N))
    quantized, loss = _tc_loss_slice(z_feats, q128)
    loss_s = loss[0, 0]
    return (quantized, loss_s, loss_s, idxf)

# --- scband reference (transcript-rebuilt; emitter-appended) ---
"""Pipeline reference for scband-sparse-vector-quantizer-3504693314202 (READ-ONLY COPY).

The authoritative reference and input builder live on the scoring server;
editing this copy changes nothing except your own understanding.
"""

import jax, jax.numpy as jnp
import numpy as np

NUM_EMBEDDINGS = 8192
EMBEDDING_DIM = 64
BETA = 0.25


def setup_inputs(seed: int = 0) -> dict:
    key = jax.random.key(seed)
    k1, k2 = jax.random.split(key)
    z_feats = jax.random.normal(k1, (65536, EMBEDDING_DIM), dtype=jnp.float32)
    codebook = jax.random.normal(k2, (NUM_EMBEDDINGS, EMBEDDING_DIM), dtype=jnp.float32)
    return {"z_feats": z_feats, "codebook": codebook}


def reference(z_feats, codebook):
    # torch.cdist(z, codebook): euclidean distances [N, K]
    z2 = jnp.sum(z_feats * z_feats, axis=1, keepdims=True)            # [N, 1]
    c2 = jnp.sum(codebook * codebook, axis=1)[None, :]                # [1, K]
    d2 = jnp.maximum(z2 + c2 - 2.0 * (z_feats @ codebook.T), 0.0)     # [N, K]
    distances = jnp.sqrt(d2)
    encoding_indices = jnp.argmin(distances, axis=1)                  # [N]
    # embedding lookup (gather)
    quantized_feats = jnp.take(codebook, encoding_indices, axis=0)    # [N, D]
    commitment_loss = jnp.mean((z_feats - jax.lax.stop_gradient(quantized_feats)) ** 2)
    vq_loss = jnp.mean((quantized_feats - jax.lax.stop_gradient(z_feats)) ** 2)
    # straight-through estimator
    quantized_st = z_feats + jax.lax.stop_gradient(quantized_feats - z_feats)
    encoding_indices_feats = encoding_indices[:, None].astype(jnp.float32)
    return (quantized_st, vq_loss, commitment_loss, encoding_indices_feats)

if __name__ == "__main__":
    import jax
    _d = setup_inputs()
    print(jax.jit(kernel)(*tuple(_d.values())))

</pallas_src>

<mosaic_0001>
#map = affine_map<(d0, d1) -> (0, 0)>
#map1 = affine_map<(d0, d1) -> (0)>
module attributes {stable_mosaic.version = 14 : i64} {
  func.func @gather(%arg0: i32, %arg1: i32, %arg2: memref<8192x128xf32, #tpu.memory_space<hbm>>, %arg3: memref<65536xi32, #tpu.memory_space<hbm>>, %arg4: memref<65536x128xf32, #tpu.memory_space<hbm>>, %arg5: memref<256xi32, #tpu.memory_space<vmem>>, %arg6: memref<256xi32, #tpu.memory_space<vmem>>, %arg7: memref<256x128xf32, #tpu.memory_space<vmem>>, %arg8: memref<256x128xf32, #tpu.memory_space<vmem>>, %arg9: memref<!tpu.dma_semaphore, #tpu.memory_space<semaphore_mem>>, %arg10: memref<!tpu.dma_semaphore, #tpu.memory_space<semaphore_mem>>, %arg11: memref<!tpu.dma_semaphore, #tpu.memory_space<semaphore_mem>>, %arg12: memref<!tpu.dma_semaphore, #tpu.memory_space<semaphore_mem>>) attributes {dimension_semantics = [#tpu.dimension_semantics<core_parallel>, #tpu.dimension_semantics<subcore_parallel>], iteration_bounds = array<i64: 2, 16>, scalar_prefetch = 0 : i64, scratch_operands = 8 : i64, tpu.core_type = #tpu.core_type<sc_vector_subcore>, window_params = [{transform_indices = #map}, {transform_indices = #map1}, {transform_indices = #map}]} {
    %mul3A = arith.constant 2 : i32
    %mul3A_0 = arith.muli %arg1, %mul3A : i32
    %add3A = arith.addi %mul3A_0, %arg0 : i32
    %mul3A_1 = arith.constant 2048 : i32
    %mul3A_2 = arith.muli %add3A, %mul3A_1 : i32
    "tpu.region"() ({
      %run_scoped3A = tpu.sem_alloc : memref<!tpu.dma_semaphore, #tpu.memory_space<semaphore_mem>>
      %dma_start3A_143 = tpu.memref_slice %arg3[%mul3A_2] : memref<65536xi32, #tpu.memory_space<hbm>> -> memref<256xi32, #tpu.memory_space<hbm>>
      %dma_start3A_144 = tpu.memref_slice %arg3[%mul3A_2] : memref<65536xi32, #tpu.memory_space<hbm>> -> memref<256xi32, #tpu.memory_space<hbm>>
      tpu.enqueue_dma source(%dma_start3A_144 : memref<256xi32, #tpu.memory_space<hbm>>) target(%arg5 : memref<256xi32, #tpu.memory_space<vmem>>) target_semaphore(%run_scoped3A : memref<!tpu.dma_semaphore, #tpu.memory_space<semaphore_mem>>)
      %dma_wait3A_145 = tpu.memref_slice %arg3[%mul3A_2] : memref<65536xi32, #tpu.memory_space<hbm>> -> memref<256xi32, #tpu.memory_space<hbm>>
      %dma_wait3A_146 = tpu.memref_slice %arg3[%mul3A_2] : memref<65536xi32, #tpu.memory_space<hbm>> -> memref<256xi32, #tpu.memory_space<hbm>>
      tpu.wait_dma2 semaphore(%run_scoped3A : memref<!tpu.dma_semaphore, #tpu.memory_space<semaphore_mem>>) src(%dma_wait3A_146 : memref<256xi32, #tpu.memory_space<hbm>>) dst(%arg5 : memref<256xi32, #tpu.memory_space<vmem>>)
      tpu.yield
    }) : () -> ()
    %dma_start3A = arith.constant 0 : i32
    %dma_start3A_3 = arith.constant 0 : i32
    %dma_start3A_4 = tpu.memref_slice %arg2[%dma_start3A, %dma_start3A_3] : memref<8192x128xf32, #tpu.memory_space<hbm>> -> memref<8192x128xf32, #tpu.memory_space<hbm>>
    tpu.enqueue_indirect_dma source(%dma_start3A_4 : memref<8192x128xf32, #tpu.memory_space<hbm>>) target(%arg7 : memref<256x128xf32, #tpu.memory_space<vmem>>) offsets(%arg5 : memref<256xi32, #tpu.memory_space<vmem>>) semaphore(%arg9 : memref<!tpu.dma_semaphore, #tpu.memory_space<semaphore_mem>>)
    %add3A_5 = arith.constant 256 : i32
    %add3A_6 = arith.addi %mul3A_2, %add3A_5 : i32
    "tpu.region"() ({
      %run_scoped3A = tpu.sem_alloc : memref<!tpu.dma_semaphore, #tpu.memory_space<semaphore_mem>>
      %dma_start3A_143 = tpu.memref_slice %arg3[%add3A_6] : memref<65536xi32, #tpu.memory_space<hbm>> -> memref<256xi32, #tpu.memory_space<hbm>>
      %dma_start3A_144 = tpu.memref_slice %arg3[%add3A_6] : memref<65536xi32, #tpu.memory_space<hbm>> -> memref<256xi32, #tpu.memory_space<hbm>>
      tpu.enqueue_dma source(%dma_start3A_144 : memref<256xi32, #tpu.memory_space<hbm>>) target(%arg6 : memref<256xi32, #tpu.memory_space<vmem>>) target_semaphore(%run_scoped3A : memref<!tpu.dma_semaphore, #tpu.memory_space<semaphore_mem>>)
      %dma_wait3A_145 = tpu.memref_slice %arg3[%add3A_6] : memref<65536xi32, #tpu.memory_space<hbm>> -> memref<256xi32, #tpu.memory_space<hbm>>
      %dma_wait3A_146 = tpu.memref_slice %arg3[%add3A_6] : memref<65536xi32, #tpu.memory_space<hbm>> -> memref<256xi32, #tpu.memory_space<hbm>>
      tpu.wait_dma2 semaphore(%run_scoped3A : memref<!tpu.dma_semaphore, #tpu.memory_space<semaphore_mem>>) src(%dma_wait3A_146 : memref<256xi32, #tpu.memory_space<hbm>>) dst(%arg6 : memref<256xi32, #tpu.memory_space<vmem>>)
      tpu.yield
    }) : () -> ()
    %dma_start3A_7 = arith.constant 0 : i32
    %dma_start3A_8 = arith.constant 0 : i32
    %dma_start3A_9 = tpu.memref_slice %arg2[%dma_start3A_7, %dma_start3A_8] : memref<8192x128xf32, #tpu.memory_space<hbm>> -> memref<8192x128xf32, #tpu.memory_space<hbm>>
    tpu.enqueue_indirect_dma source(%dma_start3A_9 : memref<8192x128xf32, #tpu.memory_space<hbm>>) target(%arg8 : memref<256x128xf32, #tpu.memory_space<vmem>>) offsets(%arg6 : memref<256xi32, #tpu.memory_space<vmem>>) semaphore(%arg10 : memref<!tpu.dma_semaphore, #tpu.memory_space<semaphore_mem>>)
    %dma_wait3A = arith.constant 0 : i32
    %dma_wait3A_10 = arith.constant 0 : i32
    %dma_wait3A_11 = tpu.memref_slice %arg2[%dma_wait3A, %dma_wait3A_10] : memref<8192x128xf32, #tpu.memory_space<hbm>> -> memref<8192x128xf32, #tpu.memory_space<hbm>>
    tpu.wait_indirect_dma semaphore(%arg9 : memref<!tpu.dma_semaphore, #tpu.memory_space<semaphore_mem>>) src(%dma_wait3A_11 : memref<8192x128xf32, #tpu.memory_space<hbm>>) dst(%arg7 : memref<256x128xf32, #tpu.memory_space<vmem>>)
    %add3A_12 = arith.constant 0 : i32
    %add3A_13 = arith.addi %mul3A_2, %add3A_12 : i32
    %dma_start3A_14 = arith.constant 0 : i32
    %dma_start3A_15 = tpu.memref_slice %arg4[%add3A_13, %dma_start3A_14] : memref<65536x128xf32, #tpu.memory_space<hbm>> -> memref<256x128xf32, #tpu.memory_space<hbm>>
    %dma_start3A_16 = arith.constant 0 : i32
    %dma_start3A_17 = tpu.memref_slice %arg4[%add3A_13, %dma_start3A_16] : memref<65536x128xf32, #tpu.memory_space<hbm>> -> memref<256x128xf32, #tpu.memory_space<hbm>>
    tpu.enqueue_dma source(%arg7 : memref<256x128xf32, #tpu.memory_space<vmem>>) target(%dma_start3A_17 : memref<256x128xf32, #tpu.memory_space<hbm>>) target_semaphore(%arg11 : memref<!tpu.dma_semaphore, #tpu.memory_space<semaphore_mem>>)
    %dma_wait3A_18 = arith.constant 0 : i32
    %dma_wait3A_19 = tpu.memref_slice %arg4[%add3A_13, %dma_wait3A_18] : memref<65536x128xf32, #tpu.memory_space<hbm>> -> memref<256x128xf32, #tpu.memory_space<hbm>>
    %dma_wait3A_20 = arith.constant 0 : i32
    %dma_wait3A_21 = tpu.memref_slice %arg4[%add3A_13, %dma_wait3A_20] : memref<65536x128xf32, #tpu.memory_space<hbm>> -> memref<256x128xf32, #tpu.memory_space<hbm>>
    tpu.wait_dma2 semaphore(%arg11 : memref<!tpu.dma_semaphore, #tpu.memory_space<semaphore_mem>>) src(%arg7 : memref<256x128xf32, #tpu.memory_space<vmem>>) dst(%dma_wait3A_21 : memref<256x128xf32, #tpu.memory_space<hbm>>)
    %add3A_22 = arith.constant 512 : i32
    %add3A_23 = arith.addi %mul3A_2, %add3A_22 : i32
    "tpu.region"() ({
      %run_scoped3A = tpu.sem_alloc : memref<!tpu.dma_semaphore, #tpu.memory_space<semaphore_mem>>
      %dma_start3A_143 = tpu.memref_slice %arg3[%add3A_23] : memref<65536xi32, #tpu.memory_space<hbm>> -> memref<256xi32, #tpu.memory_space<hbm>>
      %dma_start3A_144 = tpu.memref_slice %arg3[%add3A_23] : memref<65536xi32, #tpu.memory_space<hbm>> -> memref<256xi32, #tpu.memory_space<hbm>>
      tpu.enqueue_dma source(%dma_start3A_144 : memref<256xi32, #tpu.memory_space<hbm>>) target(%arg5 : memref<256xi32, #tpu.memory_space<vmem>>) target_semaphore(%run_scoped3A : memref<!tpu.dma_semaphore, #tpu.memory_space<semaphore_mem>>)
      %dma_wait3A_145 = tpu.memref_slice %arg3[%add3A_23] : memref<65536xi32, #tpu.memory_space<hbm>> -> memref<256xi32, #tpu.memory_space<hbm>>
      %dma_wait3A_146 = tpu.memref_slice %arg3[%add3A_23] : memref<65536xi32, #tpu.memory_space<hbm>> -> memref<256xi32, #tpu.memory_space<hbm>>
      tpu.wait_dma2 semaphore(%run_scoped3A : memref<!tpu.dma_semaphore, #tpu.memory_space<semaphore_mem>>) src(%dma_wait3A_146 : memref<256xi32, #tpu.memory_space<hbm>>) dst(%arg5 : memref<256xi32, #tpu.memory_space<vmem>>)
      tpu.yield
    }) : () -> ()
    %dma_start3A_24 = arith.constant 0 : i32
    %dma_start3A_25 = arith.constant 0 : i32
    %dma_start3A_26 = tpu.memref_slice %arg2[%dma_start3A_24, %dma_start3A_25] : memref<8192x128xf32, #tpu.memory_space<hbm>> -> memref<8192x128xf32, #tpu.memory_space<hbm>>
    tpu.enqueue_indirect_dma source(%dma_start3A_26 : memref<8192x128xf32, #tpu.memory_space<hbm>>) target(%arg7 : memref<256x128xf32, #tpu.memory_space<vmem>>) offsets(%arg5 : memref<256xi32, #tpu.memory_space<vmem>>) semaphore(%arg9 : memref<!tpu.dma_semaphore, #tpu.memory_space<semaphore_mem>>)
    %dma_wait3A_27 = arith.constant 0 : i32
    %dma_wait3A_28 = arith.constant 0 : i32
    %dma_wait3A_29 = tpu.memref_slice %arg2[%dma_wait3A_27, %dma_wait3A_28] : memref<8192x128xf32, #tpu.memory_space<hbm>> -> memref<8192x128xf32, #tpu.memory_space<hbm>>
    tpu.wait_indirect_dma semaphore(%arg10 : memref<!tpu.dma_semaphore, #tpu.memory_space<semaphore_mem>>) src(%dma_wait3A_29 : memref<8192x128xf32, #tpu.memory_space<hbm>>) dst(%arg8 : memref<256x128xf32, #tpu.memory_space<vmem>>)
    %add3A_30 = arith.constant 256 : i32
    %add3A_31 = arith.addi %mul3A_2, %add3A_30 : i32
    %dma_start3A_32 = arith.constant 0 : i32
    %dma_start3A_33 = tpu.memref_slice %arg4[%add3A_31, %dma_start3A_32] : memref<65536x128xf32, #tpu.memory_space<hbm>> -> memref<256x128xf32, #tpu.memory_space<hbm>>
    %dma_start3A_34 = arith.constant 0 : i32
    %dma_start3A_35 = tpu.memref_slice %arg4[%add3A_31, %dma_start3A_34] : memref<65536x128xf32, #tpu.memory_space<hbm>> -> memref<256x128xf32, #tpu.memory_space<hbm>>
    tpu.enqueue_dma source(%arg8 : memref<256x128xf32, #tpu.memory_space<vmem>>) target(%dma_start3A_35 : memref<256x128xf32, #tpu.memory_space<hbm>>) target_semaphore(%arg12 : memref<!tpu.dma_semaphore, #tpu.memory_space<semaphore_mem>>)
    %dma_wait3A_36 = arith.constant 0 : i32
    %dma_wait3A_37 = tpu.memref_slice %arg4[%add3A_31, %dma_wait3A_36] : memref<65536x128xf32, #tpu.memory_space<hbm>> -> memref<256x128xf32, #tpu.memory_space<hbm>>
    %dma_wait3A_38 = arith.constant 0 : i32
    %dma_wait3A_39 = tpu.memref_slice %arg4[%add3A_31, %dma_wait3A_38] : memref<65536x128xf32, #tpu.memory_space<hbm>> -> memref<256x128xf32, #tpu.memory_space<hbm>>
    tpu.wait_dma2 semaphore(%arg12 : memref<!tpu.dma_semaphore, #tpu.memory_space<semaphore_mem>>) src(%arg8 : memref<256x128xf32, #tpu.memory_space<vmem>>) dst(%dma_wait3A_39 : memref<256x128xf32, #tpu.memory_space<hbm>>)
    %add3A_40 = arith.constant 768 : i32
    %add3A_41 = arith.addi %mul3A_2, %add3A_40 : i32
    "tpu.region"() ({
      %run_scoped3A = tpu.sem_alloc : memref<!tpu.dma_semaphore, #tpu.memory_space<semaphore_mem>>
      %dma_start3A_143 = tpu.memref_slice %arg3[%add3A_41] : memref<65536xi32, #tpu.memory_space<hbm>> -> memref<256xi32, #tpu.memory_space<hbm>>
      %dma_start3A_144 = tpu.memref_slice %arg3[%add3A_41] : memref<65536xi32, #tpu.memory_space<hbm>> -> memref<256xi32, #tpu.memory_space<hbm>>
      tpu.enqueue_dma source(%dma_start3A_144 : memref<256xi32, #tpu.memory_space<hbm>>) target(%arg6 : memref<256xi32, #tpu.memory_space<vmem>>) target_semaphore(%run_scoped3A : memref<!tpu.dma_semaphore, #tpu.memory_space<semaphore_mem>>)
      %dma_wait3A_145 = tpu.memref_slice %arg3[%add3A_41] : memref<65536xi32, #tpu.memory_space<hbm>> -> memref<256xi32, #tpu.memory_space<hbm>>
      %dma_wait3A_146 = tpu.memref_slice %arg3[%add3A_41] : memref<65536xi32, #tpu.memory_space<hbm>> -> memref<256xi32, #tpu.memory_space<hbm>>
      tpu.wait_dma2 semaphore(%run_scoped3A : memref<!tpu.dma_semaphore, #tpu.memory_space<semaphore_mem>>) src(%dma_wait3A_146 : memref<256xi32, #tpu.memory_space<hbm>>) dst(%arg6 : memref<256xi32, #tpu.memory_space<vmem>>)
      tpu.yield
    }) : () -> ()
    %dma_start3A_42 = arith.constant 0 : i32
    %dma_start3A_43 = arith.constant 0 : i32
    %dma_start3A_44 = tpu.memref_slice %arg2[%dma_start3A_42, %dma_start3A_43] : memref<8192x128xf32, #tpu.memory_space<hbm>> -> memref<8192x128xf32, #tpu.memory_space<hbm>>
    tpu.enqueue_indirect_dma source(%dma_start3A_44 : memref<8192x128xf32, #tpu.memory_space<hbm>>) target(%arg8 : memref<256x128xf32, #tpu.memory_space<vmem>>) offsets(%arg6 : memref<256xi32, #tpu.memory_space<vmem>>) semaphore(%arg10 : memref<!tpu.dma_semaphore, #tpu.memory_space<semaphore_mem>>)
    %dma_wait3A_45 = arith.constant 0 : i32
    %dma_wait3A_46 = arith.constant 0 : i32
    %dma_wait3A_47 = tpu.memref_slice %arg2[%dma_wait3A_45, %dma_wait3A_46] : memref<8192x128xf32, #tpu.memory_space<hbm>> -> memref<8192x128xf32, #tpu.memory_space<hbm>>
    tpu.wait_indirect_dma semaphore(%arg9 : memref<!tpu.dma_semaphore, #tpu.memory_space<semaphore_mem>>) src(%dma_wait3A_47 : memref<8192x128xf32, #tpu.memory_space<hbm>>) dst(%arg7 : memref<256x128xf32, #tpu.memory_space<vmem>>)
    %add3A_48 = arith.constant 512 : i32
    %add3A_49 = arith.addi %mul3A_2, %add3A_48 : i32
    %dma_start3A_50 = arith.constant 0 : i32
    %dma_start3A_51 = tpu.memref_slice %arg4[%add3A_49, %dma_start3A_50] : memref<65536x128xf32, #tpu.memory_space<hbm>> -> memref<256x128xf32, #tpu.memory_space<hbm>>
    %dma_start3A_52 = arith.constant 0 : i32
    %dma_start3A_53 = tpu.memref_slice %arg4[%add3A_49, %dma_start3A_52] : memref<65536x128xf32, #tpu.memory_space<hbm>> -> memref<256x128xf32, #tpu.memory_space<hbm>>
    tpu.enqueue_dma source(%arg7 : memref<256x128xf32, #tpu.memory_space<vmem>>) target(%dma_start3A_53 : memref<256x128xf32, #tpu.memory_space<hbm>>) target_semaphore(%arg11 : memref<!tpu.dma_semaphore, #tpu.memory_space<semaphore_mem>>)
    %dma_wait3A_54 = arith.constant 0 : i32
    %dma_wait3A_55 = tpu.memref_slice %arg4[%add3A_49, %dma_wait3A_54] : memref<65536x128xf32, #tpu.memory_space<hbm>> -> memref<256x128xf32, #tpu.memory_space<hbm>>
    %dma_wait3A_56 = arith.constant 0 : i32
    %dma_wait3A_57 = tpu.memref_slice %arg4[%add3A_49, %dma_wait3A_56] : memref<65536x128xf32, #tpu.memory_space<hbm>> -> memref<256x128xf32, #tpu.memory_space<hbm>>
    tpu.wait_dma2 semaphore(%arg11 : memref<!tpu.dma_semaphore, #tpu.memory_space<semaphore_mem>>) src(%arg7 : memref<256x128xf32, #tpu.memory_space<vmem>>) dst(%dma_wait3A_57 : memref<256x128xf32, #tpu.memory_space<hbm>>)
    %add3A_58 = arith.constant 1024 : i32
    %add3A_59 = arith.addi %mul3A_2, %add3A_58 : i32
    "tpu.region"() ({
      %run_scoped3A = tpu.sem_alloc : memref<!tpu.dma_semaphore, #tpu.memory_space<semaphore_mem>>
      %dma_start3A_143 = tpu.memref_slice %arg3[%add3A_59] : memref<65536xi32, #tpu.memory_space<hbm>> -> memref<256xi32, #tpu.memory_space<hbm>>
      %dma_start3A_144 = tpu.memref_slice %arg3[%add3A_59] : memref<65536xi32, #tpu.memory_space<hbm>> -> memref<256xi32, #tpu.memory_space<hbm>>
      tpu.enqueue_dma source(%dma_start3A_144 : memref<256xi32, #tpu.memory_space<hbm>>) target(%arg5 : memref<256xi32, #tpu.memory_space<vmem>>) target_semaphore(%run_scoped3A : memref<!tpu.dma_semaphore, #tpu.memory_space<semaphore_mem>>)
      %dma_wait3A_145 = tpu.memref_slice %arg3[%add3A_59] : memref<65536xi32, #tpu.memory_space<hbm>> -> memref<256xi32, #tpu.memory_space<hbm>>
      %dma_wait3A_146 = tpu.memref_slice %arg3[%add3A_59] : memref<65536xi32, #tpu.memory_space<hbm>> -> memref<256xi32, #tpu.memory_space<hbm>>
      tpu.wait_dma2 semaphore(%run_scoped3A : memref<!tpu.dma_semaphore, #tpu.memory_space<semaphore_mem>>) src(%dma_wait3A_146 : memref<256xi32, #tpu.memory_space<hbm>>) dst(%arg5 : memref<256xi32, #tpu.memory_space<vmem>>)
      tpu.yield
    }) : () -> ()
    %dma_start3A_60 = arith.constant 0 : i32
    %dma_start3A_61 = arith.constant 0 : i32
    %dma_start3A_62 = tpu.memref_slice %arg2[%dma_start3A_60, %dma_start3A_61] : memref<8192x128xf32, #tpu.memory_space<hbm>> -> memref<8192x128xf32, #tpu.memory_space<hbm>>
    tpu.enqueue_indirect_dma source(%dma_start3A_62 : memref<8192x128xf32, #tpu.memory_space<hbm>>) target(%arg7 : memref<256x128xf32, #tpu.memory_space<vmem>>) offsets(%arg5 : memref<256xi32, #tpu.memory_space<vmem>>) semaphore(%arg9 : memref<!tpu.dma_semaphore, #tpu.memory_space<semaphore_mem>>)
    %dma_wait3A_63 = arith.constant 0 : i32
    %dma_wait3A_64 = arith.constant 0 : i32
    %dma_wait3A_65 = tpu.memref_slice %arg2[%dma_wait3A_63, %dma_wait3A_64] : memref<8192x128xf32, #tpu.memory_space<hbm>> -> memref<8192x128xf32, #tpu.memory_space<hbm>>
    tpu.wait_indirect_dma semaphore(%arg10 : memref<!tpu.dma_semaphore, #tpu.memory_space<semaphore_mem>>) src(%dma_wait3A_65 : memref<8192x128xf32, #tpu.memory_space<hbm>>) dst(%arg8 : memref<256x128xf32, #tpu.memory_space<vmem>>)
    %add3A_66 = arith.constant 768 : i32
    %add3A_67 = arith.addi %mul3A_2, %add3A_66 : i32
    %dma_start3A_68 = arith.constant 0 : i32
    %dma_start3A_69 = tpu.memref_slice %arg4[%add3A_67, %dma_start3A_68] : memref<65536x128xf32, #tpu.memory_space<hbm>> -> memref<256x128xf32, #tpu.memory_space<hbm>>
    %dma_start3A_70 = arith.constant 0 : i32
    %dma_start3A_71 = tpu.memref_slice %arg4[%add3A_67, %dma_start3A_70] : memref<65536x128xf32, #tpu.memory_space<hbm>> -> memref<256x128xf32, #tpu.memory_space<hbm>>
    tpu.enqueue_dma source(%arg8 : memref<256x128xf32, #tpu.memory_space<vmem>>) target(%dma_start3A_71 : memref<256x128xf32, #tpu.memory_space<hbm>>) target_semaphore(%arg12 : memref<!tpu.dma_semaphore, #tpu.memory_space<semaphore_mem>>)
    %dma_wait3A_72 = arith.constant 0 : i32
    %dma_wait3A_73 = tpu.memref_slice %arg4[%add3A_67, %dma_wait3A_72] : memref<65536x128xf32, #tpu.memory_space<hbm>> -> memref<256x128xf32, #tpu.memory_space<hbm>>
    %dma_wait3A_74 = arith.constant 0 : i32
    %dma_wait3A_75 = tpu.memref_slice %arg4[%add3A_67, %dma_wait3A_74] : memref<65536x128xf32, #tpu.memory_space<hbm>> -> memref<256x128xf32, #tpu.memory_space<hbm>>
    tpu.wait_dma2 semaphore(%arg12 : memref<!tpu.dma_semaphore, #tpu.memory_space<semaphore_mem>>) src(%arg8 : memref<256x128xf32, #tpu.memory_space<vmem>>) dst(%dma_wait3A_75 : memref<256x128xf32, #tpu.memory_space<hbm>>)
    %add3A_76 = arith.constant 1280 : i32
    %add3A_77 = arith.addi %mul3A_2, %add3A_76 : i32
    "tpu.region"() ({
      %run_scoped3A = tpu.sem_alloc : memref<!tpu.dma_semaphore, #tpu.memory_space<semaphore_mem>>
      %dma_start3A_143 = tpu.memref_slice %arg3[%add3A_77] : memref<65536xi32, #tpu.memory_space<hbm>> -> memref<256xi32, #tpu.memory_space<hbm>>
      %dma_start3A_144 = tpu.memref_slice %arg3[%add3A_77] : memref<65536xi32, #tpu.memory_space<hbm>> -> memref<256xi32, #tpu.memory_space<hbm>>
      tpu.enqueue_dma source(%dma_start3A_144 : memref<256xi32, #tpu.memory_space<hbm>>) target(%arg6 : memref<256xi32, #tpu.memory_space<vmem>>) target_semaphore(%run_scoped3A : memref<!tpu.dma_semaphore, #tpu.memory_space<semaphore_mem>>)
      %dma_wait3A_145 = tpu.memref_slice %arg3[%add3A_77] : memref<65536xi32, #tpu.memory_space<hbm>> -> memref<256xi32, #tpu.memory_space<hbm>>
      %dma_wait3A_146 = tpu.memref_slice %arg3[%add3A_77] : memref<65536xi32, #tpu.memory_space<hbm>> -> memref<256xi32, #tpu.memory_space<hbm>>
      tpu.wait_dma2 semaphore(%run_scoped3A : memref<!tpu.dma_semaphore, #tpu.memory_space<semaphore_mem>>) src(%dma_wait3A_146 : memref<256xi32, #tpu.memory_space<hbm>>) dst(%arg6 : memref<256xi32, #tpu.memory_space<vmem>>)
      tpu.yield
    }) : () -> ()
    %dma_start3A_78 = arith.constant 0 : i32
    %dma_start3A_79 = arith.constant 0 : i32
    %dma_start3A_80 = tpu.memref_slice %arg2[%dma_start3A_78, %dma_start3A_79] : memref<8192x128xf32, #tpu.memory_space<hbm>> -> memref<8192x128xf32, #tpu.memory_space<hbm>>
    tpu.enqueue_indirect_dma source(%dma_start3A_80 : memref<8192x128xf32, #tpu.memory_space<hbm>>) target(%arg8 : memref<256x128xf32, #tpu.memory_space<vmem>>) offsets(%arg6 : memref<256xi32, #tpu.memory_space<vmem>>) semaphore(%arg10 : memref<!tpu.dma_semaphore, #tpu.memory_space<semaphore_mem>>)
    %dma_wait3A_81 = arith.constant 0 : i32
    %dma_wait3A_82 = arith.constant 0 : i32
    %dma_wait3A_83 = tpu.memref_slice %arg2[%dma_wait3A_81, %dma_wait3A_82] : memref<8192x128xf32, #tpu.memory_space<hbm>> -> memref<8192x128xf32, #tpu.memory_space<hbm>>
    tpu.wait_indirect_dma semaphore(%arg9 : memref<!tpu.dma_semaphore, #tpu.memory_space<semaphore_mem>>) src(%dma_wait3A_83 : memref<8192x128xf32, #tpu.memory_space<hbm>>) dst(%arg7 : memref<256x128xf32, #tpu.memory_space<vmem>>)
    %add3A_84 = arith.constant 1024 : i32
    %add3A_85 = arith.addi %mul3A_2, %add3A_84 : i32
    %dma_start3A_86 = arith.constant 0 : i32
    %dma_start3A_87 = tpu.memref_slice %arg4[%add3A_85, %dma_start3A_86] : memref<65536x128xf32, #tpu.memory_space<hbm>> -> memref<256x128xf32, #tpu.memory_space<hbm>>
    %dma_start3A_88 = arith.constant 0 : i32
    %dma_start3A_89 = tpu.memref_slice %arg4[%add3A_85, %dma_start3A_88] : memref<65536x128xf32, #tpu.memory_space<hbm>> -> memref<256x128xf32, #tpu.memory_space<hbm>>
    tpu.enqueue_dma source(%arg7 : memref<256x128xf32, #tpu.memory_space<vmem>>) target(%dma_start3A_89 : memref<256x128xf32, #tpu.memory_space<hbm>>) target_semaphore(%arg11 : memref<!tpu.dma_semaphore, #tpu.memory_space<semaphore_mem>>)
    %dma_wait3A_90 = arith.constant 0 : i32
    %dma_wait3A_91 = tpu.memref_slice %arg4[%add3A_85, %dma_wait3A_90] : memref<65536x128xf32, #tpu.memory_space<hbm>> -> memref<256x128xf32, #tpu.memory_space<hbm>>
    %dma_wait3A_92 = arith.constant 0 : i32
    %dma_wait3A_93 = tpu.memref_slice %arg4[%add3A_85, %dma_wait3A_92] : memref<65536x128xf32, #tpu.memory_space<hbm>> -> memref<256x128xf32, #tpu.memory_space<hbm>>
    tpu.wait_dma2 semaphore(%arg11 : memref<!tpu.dma_semaphore, #tpu.memory_space<semaphore_mem>>) src(%arg7 : memref<256x128xf32, #tpu.memory_space<vmem>>) dst(%dma_wait3A_93 : memref<256x128xf32, #tpu.memory_space<hbm>>)
    %add3A_94 = arith.constant 1536 : i32
    %add3A_95 = arith.addi %mul3A_2, %add3A_94 : i32
    "tpu.region"() ({
      %run_scoped3A = tpu.sem_alloc : memref<!tpu.dma_semaphore, #tpu.memory_space<semaphore_mem>>
      %dma_start3A_143 = tpu.memref_slice %arg3[%add3A_95] : memref<65536xi32, #tpu.memory_space<hbm>> -> memref<256xi32, #tpu.memory_space<hbm>>
      %dma_start3A_144 = tpu.memref_slice %arg3[%add3A_95] : memref<65536xi32, #tpu.memory_space<hbm>> -> memref<256xi32, #tpu.memory_space<hbm>>
      tpu.enqueue_dma source(%dma_start3A_144 : memref<256xi32, #tpu.memory_space<hbm>>) target(%arg5 : memref<256xi32, #tpu.memory_space<vmem>>) target_semaphore(%run_scoped3A : memref<!tpu.dma_semaphore, #tpu.memory_space<semaphore_mem>>)
      %dma_wait3A_145 = tpu.memref_slice %arg3[%add3A_95] : memref<65536xi32, #tpu.memory_space<hbm>> -> memref<256xi32, #tpu.memory_space<hbm>>
      %dma_wait3A_146 = tpu.memref_slice %arg3[%add3A_95] : memref<65536xi32, #tpu.memory_space<hbm>> -> memref<256xi32, #tpu.memory_space<hbm>>
      tpu.wait_dma2 semaphore(%run_scoped3A : memref<!tpu.dma_semaphore, #tpu.memory_space<semaphore_mem>>) src(%dma_wait3A_146 : memref<256xi32, #tpu.memory_space<hbm>>) dst(%arg5 : memref<256xi32, #tpu.memory_space<vmem>>)
      tpu.yield
    }) : () -> ()
    %dma_start3A_96 = arith.constant 0 : i32
    %dma_start3A_97 = arith.constant 0 : i32
    %dma_start3A_98 = tpu.memref_slice %arg2[%dma_start3A_96, %dma_start3A_97] : memref<8192x128xf32, #tpu.memory_space<hbm>> -> memref<8192x128xf32, #tpu.memory_space<hbm>>
    tpu.enqueue_indirect_dma source(%dma_start3A_98 : memref<8192x128xf32, #tpu.memory_space<hbm>>) target(%arg7 : memref<256x128xf32, #tpu.memory_space<vmem>>) offsets(%arg5 : memref<256xi32, #tpu.memory_space<vmem>>) semaphore(%arg9 : memref<!tpu.dma_semaphore, #tpu.memory_space<semaphore_mem>>)
    %dma_wait3A_99 = arith.constant 0 : i32
    %dma_wait3A_100 = arith.constant 0 : i32
    %dma_wait3A_101 = tpu.memref_slice %arg2[%dma_wait3A_99, %dma_wait3A_100] : memref<8192x128xf32, #tpu.memory_space<hbm>> -> memref<8192x128xf32, #tpu.memory_space<hbm>>
    tpu.wait_indirect_dma semaphore(%arg10 : memref<!tpu.dma_semaphore, #tpu.memory_space<semaphore_mem>>) src(%dma_wait3A_101 : memref<8192x128xf32, #tpu.memory_space<hbm>>) dst(%arg8 : memref<256x128xf32, #tpu.memory_space<vmem>>)
    %add3A_102 = arith.constant 1280 : i32
    %add3A_103 = arith.addi %mul3A_2, %add3A_102 : i32
    %dma_start3A_104 = arith.constant 0 : i32
    %dma_start3A_105 = tpu.memref_slice %arg4[%add3A_103, %dma_start3A_104] : memref<65536x128xf32, #tpu.memory_space<hbm>> -> memref<256x128xf32, #tpu.memory_space<hbm>>
    %dma_start3A_106 = arith.constant 0 : i32
    %dma_start3A_107 = tpu.memref_slice %arg4[%add3A_103, %dma_start3A_106] : memref<65536x128xf32, #tpu.memory_space<hbm>> -> memref<256x128xf32, #tpu.memory_space<hbm>>
    tpu.enqueue_dma source(%arg8 : memref<256x128xf32, #tpu.memory_space<vmem>>) target(%dma_start3A_107 : memref<256x128xf32, #tpu.memory_space<hbm>>) target_semaphore(%arg12 : memref<!tpu.dma_semaphore, #tpu.memory_space<semaphore_mem>>)
    %dma_wait3A_108 = arith.constant 0 : i32
    %dma_wait3A_109 = tpu.memref_slice %arg4[%add3A_103, %dma_wait3A_108] : memref<65536x128xf32, #tpu.memory_space<hbm>> -> memref<256x128xf32, #tpu.memory_space<hbm>>
    %dma_wait3A_110 = arith.constant 0 : i32
    %dma_wait3A_111 = tpu.memref_slice %arg4[%add3A_103, %dma_wait3A_110] : memref<65536x128xf32, #tpu.memory_space<hbm>> -> memref<256x128xf32, #tpu.memory_space<hbm>>
    tpu.wait_dma2 semaphore(%arg12 : memref<!tpu.dma_semaphore, #tpu.memory_space<semaphore_mem>>) src(%arg8 : memref<256x128xf32, #tpu.memory_space<vmem>>) dst(%dma_wait3A_111 : memref<256x128xf32, #tpu.memory_space<hbm>>)
    %add3A_112 = arith.constant 1792 : i32
    %add3A_113 = arith.addi %mul3A_2, %add3A_112 : i32
    "tpu.region"() ({
      %run_scoped3A = tpu.sem_alloc : memref<!tpu.dma_semaphore, #tpu.memory_space<semaphore_mem>>
      %dma_start3A_143 = tpu.memref_slice %arg3[%add3A_113] : memref<65536xi32, #tpu.memory_space<hbm>> -> memref<256xi32, #tpu.memory_space<hbm>>
      %dma_start3A_144 = tpu.memref_slice %arg3[%add3A_113] : memref<65536xi32, #tpu.memory_space<hbm>> -> memref<256xi32, #tpu.memory_space<hbm>>
      tpu.enqueue_dma source(%dma_start3A_144 : memref<256xi32, #tpu.memory_space<hbm>>) target(%arg6 : memref<256xi32, #tpu.memory_space<vmem>>) target_semaphore(%run_scoped3A : memref<!tpu.dma_semaphore, #tpu.memory_space<semaphore_mem>>)
      %dma_wait3A_145 = tpu.memref_slice %arg3[%add3A_113] : memref<65536xi32, #tpu.memory_space<hbm>> -> memref<256xi32, #tpu.memory_space<hbm>>
      %dma_wait3A_146 = tpu.memref_slice %arg3[%add3A_113] : memref<65536xi32, #tpu.memory_space<hbm>> -> memref<256xi32, #tpu.memory_space<hbm>>
      tpu.wait_dma2 semaphore(%run_scoped3A : memref<!tpu.dma_semaphore, #tpu.memory_space<semaphore_mem>>) src(%dma_wait3A_146 : memref<256xi32, #tpu.memory_space<hbm>>) dst(%arg6 : memref<256xi32, #tpu.memory_space<vmem>>)
      tpu.yield
    }) : () -> ()
    %dma_start3A_114 = arith.constant 0 : i32
    %dma_start3A_115 = arith.constant 0 : i32
    %dma_start3A_116 = tpu.memref_slice %arg2[%dma_start3A_114, %dma_start3A_115] : memref<8192x128xf32, #tpu.memory_space<hbm>> -> memref<8192x128xf32, #tpu.memory_space<hbm>>
    tpu.enqueue_indirect_dma source(%dma_start3A_116 : memref<8192x128xf32, #tpu.memory_space<hbm>>) target(%arg8 : memref<256x128xf32, #tpu.memory_space<vmem>>) offsets(%arg6 : memref<256xi32, #tpu.memory_space<vmem>>) semaphore(%arg10 : memref<!tpu.dma_semaphore, #tpu.memory_space<semaphore_mem>>)
    %dma_wait3A_117 = arith.constant 0 : i32
    %dma_wait3A_118 = arith.constant 0 : i32
    %dma_wait3A_119 = tpu.memref_slice %arg2[%dma_wait3A_117, %dma_wait3A_118] : memref<8192x128xf32, #tpu.memory_space<hbm>> -> memref<8192x128xf32, #tpu.memory_space<hbm>>
    tpu.wait_indirect_dma semaphore(%arg9 : memref<!tpu.dma_semaphore, #tpu.memory_space<semaphore_mem>>) src(%dma_wait3A_119 : memref<8192x128xf32, #tpu.memory_space<hbm>>) dst(%arg7 : memref<256x128xf32, #tpu.memory_space<vmem>>)
    %add3A_120 = arith.constant 1536 : i32
    %add3A_121 = arith.addi %mul3A_2, %add3A_120 : i32
    %dma_start3A_122 = arith.constant 0 : i32
    %dma_start3A_123 = tpu.memref_slice %arg4[%add3A_121, %dma_start3A_122] : memref<65536x128xf32, #tpu.memory_space<hbm>> -> memref<256x128xf32, #tpu.memory_space<hbm>>
    %dma_start3A_124 = arith.constant 0 : i32
    %dma_start3A_125 = tpu.memref_slice %arg4[%add3A_121, %dma_start3A_124] : memref<65536x128xf32, #tpu.memory_space<hbm>> -> memref<256x128xf32, #tpu.memory_space<hbm>>
    tpu.enqueue_dma source(%arg7 : memref<256x128xf32, #tpu.memory_space<vmem>>) target(%dma_start3A_125 : memref<256x128xf32, #tpu.memory_space<hbm>>) target_semaphore(%arg11 : memref<!tpu.dma_semaphore, #tpu.memory_space<semaphore_mem>>)
    %dma_wait3A_126 = arith.constant 0 : i32
    %dma_wait3A_127 = arith.constant 0 : i32
    %dma_wait3A_128 = tpu.memref_slice %arg2[%dma_wait3A_126, %dma_wait3A_127] : memref<8192x128xf32, #tpu.memory_space<hbm>> -> memref<8192x128xf32, #tpu.memory_space<hbm>>
    tpu.wait_indirect_dma semaphore(%arg10 : memref<!tpu.dma_semaphore, #tpu.memory_space<semaphore_mem>>) src(%dma_wait3A_128 : memref<8192x128xf32, #tpu.memory_space<hbm>>) dst(%arg8 : memref<256x128xf32, #tpu.memory_space<vmem>>)
    %add3A_129 = arith.constant 1792 : i32
    %add3A_130 = arith.addi %mul3A_2, %add3A_129 : i32
    %dma_start3A_131 = arith.constant 0 : i32
    %dma_start3A_132 = tpu.memref_slice %arg4[%add3A_130, %dma_start3A_131] : memref<65536x128xf32, #tpu.memory_space<hbm>> -> memref<256x128xf32, #tpu.memory_space<hbm>>
    %dma_start3A_133 = arith.constant 0 : i32
    %dma_start3A_134 = tpu.memref_slice %arg4[%add3A_130, %dma_start3A_133] : memref<65536x128xf32, #tpu.memory_space<hbm>> -> memref<256x128xf32, #tpu.memory_space<hbm>>
    tpu.enqueue_dma source(%arg8 : memref<256x128xf32, #tpu.memory_space<vmem>>) target(%dma_start3A_134 : memref<256x128xf32, #tpu.memory_space<hbm>>) target_semaphore(%arg12 : memref<!tpu.dma_semaphore, #tpu.memory_space<semaphore_mem>>)
    %dma_wait3A_135 = arith.constant 0 : i32
    %dma_wait3A_136 = tpu.memref_slice %arg4[%add3A_121, %dma_wait3A_135] : memref<65536x128xf32, #tpu.memory_space<hbm>> -> memref<256x128xf32, #tpu.memory_space<hbm>>
    %dma_wait3A_137 = arith.constant 0 : i32
    %dma_wait3A_138 = tpu.memref_slice %arg4[%add3A_121, %dma_wait3A_137] : memref<65536x128xf32, #tpu.memory_space<hbm>> -> memref<256x128xf32, #tpu.memory_space<hbm>>
    tpu.wait_dma2 semaphore(%arg11 : memref<!tpu.dma_semaphore, #tpu.memory_space<semaphore_mem>>) src(%arg7 : memref<256x128xf32, #tpu.memory_space<vmem>>) dst(%dma_wait3A_138 : memref<256x128xf32, #tpu.memory_space<hbm>>)
    %dma_wait3A_139 = arith.constant 0 : i32
    %dma_wait3A_140 = tpu.memref_slice %arg4[%add3A_130, %dma_wait3A_139] : memref<65536x128xf32, #tpu.memory_space<hbm>> -> memref<256x128xf32, #tpu.memory_space<hbm>>
    %dma_wait3A_141 = arith.constant 0 : i32
    %dma_wait3A_142 = tpu.memref_slice %arg4[%add3A_130, %dma_wait3A_141] : memref<65536x128xf32, #tpu.memory_space<hbm>> -> memref<256x128xf32, #tpu.memory_space<hbm>>
    tpu.wait_dma2 semaphore(%arg12 : memref<!tpu.dma_semaphore, #tpu.memory_space<semaphore_mem>>) src(%arg8 : memref<256x128xf32, #tpu.memory_space<vmem>>) dst(%dma_wait3A_142 : memref<256x128xf32, #tpu.memory_space<hbm>>)
    return
  }
}

module attributes {stable_mosaic.version = 14 : i64} {
  func.func @_tc_body(%arg0: i32, %arg1: memref<2048x64xf32, #tpu.memory_space<vmem>>, %arg2: memref<8192x64xf32, #tpu.memory_space<vmem>>, %arg3: memref<2048x1xf32, #tpu.memory_space<vmem>>, %arg4: memref<2048x1xi32, #tpu.memory_space<vmem>>, %arg5: memref<8192x128xf32, #tpu.memory_space<vmem>>, %arg6: memref<64x8192xf32, #tpu.memory_space<vmem>>, %arg7: memref<1x8192xf32, #tpu.memory_space<vmem>>) attributes {dimension_semantics = [#tpu.dimension_semantics<arbitrary>], iteration_bounds = array<i64: 32>, scalar_prefetch = 0 : i64, scratch_operands = 2 : i64, tpu.core_type = #tpu.core_type<tc>, window_params = [{transform_indices = @transform_0, window_bounds = array<i64: 2048, 64>}, {pipeline_mode = #tpu.pipeline_mode<synchronous>, transform_indices = @transform_1, window_bounds = array<i64: 8192, 64>}, {transform_indices = @transform_2, window_bounds = array<i64: 2048, 1>}, {transform_indices = @transform_3, window_bounds = array<i64: 2048, 1>}, {pipeline_mode = #tpu.pipeline_mode<synchronous>, transform_indices = @transform_4, window_bounds = array<i64: 8192, 128>}]} {
    %eq3A = arith.constant 0 : i32
    %eq3A_0 = arith.cmpi eq, %arg0, %eq3A : i32
    %convert_element_type3A = arith.extui %eq3A_0 : i1 to i32
    %cond3A = arith.constant 0 : i32
    %cond3A_1 = arith.cmpi ne, %convert_element_type3A, %cond3A : i32
    scf.if %cond3A_1 {
      %get3A_18 = arith.constant 0 : index
      %get3A_19 = arith.constant 0 : index
      %get3A_20 = vector.load %arg2[%get3A_18, %get3A_19] : memref<8192x64xf32, #tpu.memory_space<vmem>>, vector<8192x64xf32>
      %transpose3A = tpu.transpose %get3A_20, [1, 0] : vector<8192x64xf32> -> vector<64x8192xf32>
      %swap3A_21 = arith.constant 0 : index
      %swap3A_22 = arith.constant 0 : index
      %swap3A_23 = vector.load %arg6[%swap3A_21, %swap3A_22] : memref<64x8192xf32, #tpu.memory_space<vmem>>, vector<64x8192xf32>
      tpu.vector_store %arg6[%swap3A_21, %swap3A_22], %transpose3A {strides = array<i32>} : memref<64x8192xf32, #tpu.memory_space<vmem>>, vector<64x8192xf32>,
      %mul3A = arith.mulf %transpose3A, %transpose3A : vector<64x8192xf32>
      %reduce_sum3A = arith.constant dense<0.000000e+00> : vector<8192xf32>
      %reduce_sum3A_24 = vector.multi_reduction <add>, %mul3A, %reduce_sum3A [0] : vector<64x8192xf32> to vector<8192xf32>
      %broadcast_in_dim3A = vector.shape_cast %reduce_sum3A_24 : vector<8192xf32> to vector<1x8192xf32>
      %mul3A_25 = arith.constant 5.000000e-01 : f32
      %mul3A_26 = vector.broadcast %mul3A_25 : f32 to vector<1x8192xf32>
      %mul3A_27 = arith.mulf %mul3A_26, %broadcast_in_dim3A : vector<1x8192xf32>
      %swap3A_28 = arith.constant 0 : index
      %swap3A_29 = arith.constant 0 : index
      %swap3A_30 = vector.load %arg7[%swap3A_28, %swap3A_29] : memref<1x8192xf32, #tpu.memory_space<vmem>>, vector<1x8192xf32>
      tpu.vector_store %arg7[%swap3A_28, %swap3A_29], %mul3A_27 {strides = array<i32>} : memref<1x8192xf32, #tpu.memory_space<vmem>>, vector<1x8192xf32>,
      %broadcast_in_dim3A_31 = arith.constant 0.000000e+00 : f32
      %broadcast_in_dim3A_32 = vector.broadcast %broadcast_in_dim3A_31 : f32 to vector<8192x64xf32>
      %concatenate3A = tpu.concatenate %get3A_20, %broadcast_in_dim3A_32 in 1 : vector<8192x64xf32>, vector<8192x64xf32> -> vector<8192x128xf32>
      %swap3A_33 = arith.constant 0 : index
      %swap3A_34 = arith.constant 0 : index
      %swap3A_35 = vector.load %arg5[%swap3A_33, %swap3A_34] : memref<8192x128xf32, #tpu.memory_space<vmem>>, vector<8192x128xf32>
      tpu.vector_store %arg5[%swap3A_33, %swap3A_34], %concatenate3A {strides = array<i32>} : memref<8192x128xf32, #tpu.memory_space<vmem>>, vector<8192x128xf32>,
    } else {
    }
    %get3A = arith.constant 0 : index
    %get3A_2 = arith.constant 0 : index
    %get3A_3 = vector.load %arg1[%get3A, %get3A_2] : memref<2048x64xf32, #tpu.memory_space<vmem>>, vector<2048x64xf32>
    %get3A_4 = arith.constant 0 : index
    %get3A_5 = arith.constant 0 : index
    %get3A_6 = vector.load %arg6[%get3A_4, %get3A_5] : memref<64x8192xf32, #tpu.memory_space<vmem>>, vector<64x8192xf32>
    %dot_general3A = arith.constant dense<0.000000e+00> : vector<2048x8192xf32>
    %dot_general3A_7 = tpu.matmul %get3A_3, %get3A_6, %dot_general3A {dimension_numbers = #tpu.dot_dimension_numbers<[1], [0], [0], [1], [0, 0, 1, 1], [], []>, transpose_lhs_hint = false} : vector<2048x64xf32>, vector<64x8192xf32>, vector<2048x8192xf32> -> vector<2048x8192xf32>
    %get3A_8 = arith.constant 0 : index
    %get3A_9 = arith.constant 0 : index
    %get3A_10 = vector.load %arg7[%get3A_8, %get3A_9] : memref<1x8192xf32, #tpu.memory_space<vmem>>, vector<1x8192xf32>
    %sub3A = vector.broadcast %get3A_10 : vector<1x8192xf32> to vector<2048x8192xf32>
    %sub3A_11 = arith.subf %sub3A, %dot_general3A_7 : vector<2048x8192xf32>
    %argmin3A = tpu.reduce_index %sub3A_11 {axis = 1 : i32, kind = #tpu.reduction_kind<arg_min>} : vector<2048x8192xf32> -> vector<2048xi32>
    %reshape3A = vector.shape_cast %argmin3A : vector<2048xi32> to vector<2048x1xi32>
    %swap3A = arith.constant 0 : index
    %swap3A_12 = arith.constant 0 : index
    %swap3A_13 = vector.load %arg4[%swap3A, %swap3A_12] : memref<2048x1xi32, #tpu.memory_space<vmem>>, vector<2048x1xi32>
    tpu.vector_store %arg4[%swap3A, %swap3A_12], %reshape3A {strides = array<i32>} : memref<2048x1xi32, #tpu.memory_space<vmem>>, vector<2048x1xi32>,
    %convert_element_type3A_14 = arith.sitofp %reshape3A : vector<2048x1xi32> to vector<2048x1xf32>
    %swap3A_15 = arith.constant 0 : index
    %swap3A_16 = arith.constant 0 : index
    %swap3A_17 = vector.load %arg3[%swap3A_15, %swap3A_16] : memref<2048x1xf32, #tpu.memory_space<vmem>>, vector<2048x1xf32>
    tpu.vector_store %arg3[%swap3A_15, %swap3A_16], %convert_element_type3A_14 {strides = array<i32>} : memref<2048x1xf32, #tpu.memory_space<vmem>>, vector<2048x1xf32>,
    return
  }
  func.func @transform_0(%arg0: i32) -> (i32, i32) {
    %c0_i32 = arith.constant 0 : i32
    %c0_i32_0 = arith.constant 0 : i32
    return %arg0, %c0_i32 : i32, i32
  }
  func.func @transform_1(%arg0: i32) -> (i32, i32) {
    %c0_i32 = arith.constant 0 : i32
    %c0_i32_0 = arith.constant 0 : i32
    %c0_i32_1 = arith.constant 0 : i32
    return %c0_i32, %c0_i32_0 : i32, i32
  }
  func.func @transform_2(%arg0: i32) -> (i32, i32) {
    %c0_i32 = arith.constant 0 : i32
    %c0_i32_0 = arith.constant 0 : i32
    return %arg0, %c0_i32 : i32, i32
  }
  func.func @transform_3(%arg0: i32) -> (i32, i32) {
    %c0_i32 = arith.constant 0 : i32
    %c0_i32_0 = arith.constant 0 : i32
    return %arg0, %c0_i32 : i32, i32
  }
  func.func @transform_4(%arg0: i32) -> (i32, i32) {
    %c0_i32 = arith.constant 0 : i32
    %c0_i32_0 = arith.constant 0 : i32
    %c0_i32_1 = arith.constant 0 : i32
    return %c0_i32, %c0_i32_0 : i32, i32
  }
}

module attributes {stable_mosaic.version = 14 : i64} {
  func.func @_loss_body(%arg0: i32, %arg1: memref<2048x64xf32, #tpu.memory_space<vmem>>, %arg2: memref<2048x128xf32, #tpu.memory_space<vmem>>, %arg3: memref<2048x64xf32, #tpu.memory_space<vmem>>, %arg4: memref<1x1xf32, #tpu.memory_space<smem>>) attributes {dimension_semantics = [#tpu.dimension_semantics<arbitrary>], iteration_bounds = array<i64: 32>, scalar_prefetch = 0 : i64, scratch_operands = 0 : i64, tpu.core_type = #tpu.core_type<tc>, window_params = [{transform_indices = @transform_0, window_bounds = array<i64: 2048, 64>}, {transform_indices = @transform_1, window_bounds = array<i64: 2048, 128>}, {transform_indices = @transform_2, window_bounds = array<i64: 2048, 64>}, {transform_indices = @transform_3, window_bounds = array<i64: 1, 1>}]} {
    %eq3A = arith.constant 0 : i32
    %eq3A_0 = arith.cmpi eq, %arg0, %eq3A : i32
    %convert_element_type3A = arith.extui %eq3A_0 : i1 to i32
    %cond3A = arith.constant 0 : i32
    %cond3A_1 = arith.cmpi ne, %convert_element_type3A, %cond3A : i32
    scf.if %cond3A_1 {
      %swap3A_21 = arith.constant 0.000000e+00 : f32
      %swap3A_22 = arith.constant 0 : index
      %swap3A_23 = arith.constant 0 : index
      %swap3A_24 = memref.load %arg4[%swap3A_22, %swap3A_23] : memref<1x1xf32, #tpu.memory_space<smem>>
      memref.store %swap3A_21, %arg4[%swap3A_22, %swap3A_23] : memref<1x1xf32, #tpu.memory_space<smem>>
    } else {
    }
    %get3A = arith.constant 0 : index
    %get3A_2 = arith.constant 0 : index
    %get3A_3 = vector.load %arg2[%get3A, %get3A_2] : memref<2048x128xf32, #tpu.memory_space<vmem>>, vector<2048x64xf32>
    %swap3A = arith.constant 0 : index
    %swap3A_4 = arith.constant 0 : index
    %swap3A_5 = vector.load %arg3[%swap3A, %swap3A_4] : memref<2048x64xf32, #tpu.memory_space<vmem>>, vector<2048x64xf32>
    tpu.vector_store %arg3[%swap3A, %swap3A_4], %get3A_3 {strides = array<i32>} : memref<2048x64xf32, #tpu.memory_space<vmem>>, vector<2048x64xf32>,
    %get3A_6 = arith.constant 0 : index
    %get3A_7 = arith.constant 0 : index
    %get3A_8 = vector.load %arg1[%get3A_6, %get3A_7] : memref<2048x64xf32, #tpu.memory_space<vmem>>, vector<2048x64xf32>
    %sub3A = arith.subf %get3A_8, %get3A_3 : vector<2048x64xf32>
    %get3A_9 = arith.constant 0 : index
    %get3A_10 = arith.constant 0 : index
    %get3A_11 = memref.load %arg4[%get3A_9, %get3A_10] : memref<1x1xf32, #tpu.memory_space<smem>>
    %mul3A = arith.mulf %sub3A, %sub3A : vector<2048x64xf32>
    %reduce_sum3A = vector.shape_cast %mul3A : vector<2048x64xf32> to vector<1x2048x64xf32>
    %reduce_sum3A_12 = arith.constant dense<0.000000e+00> : vector<1xf32>
    %reduce_sum3A_13 = vector.multi_reduction <add>, %reduce_sum3A, %reduce_sum3A_12 [1, 2] : vector<1x2048x64xf32> to vector<1xf32>
    %reduce_sum3A_14 = vector.shape_cast %reduce_sum3A_13 : vector<1xf32> to vector<1x1x1xf32>
    %reduce_sum3A_15 = vector.extract %reduce_sum3A_14[0, 0, 0] : f32 from vector<1x1x1xf32>
    %mul3A_16 = arith.constant 2.38418579E-7 : f32
    %mul3A_17 = arith.mulf %reduce_sum3A_15, %mul3A_16 : f32
    %add3A = arith.addf %get3A_11, %mul3A_17 : f32
    %swap3A_18 = arith.constant 0 : index
    %swap3A_19 = arith.constant 0 : index
    %swap3A_20 = memref.load %arg4[%swap3A_18, %swap3A_19] : memref<1x1xf32, #tpu.memory_space<smem>>
    memref.store %add3A, %arg4[%swap3A_18, %swap3A_19] : memref<1x1xf32, #tpu.memory_space<smem>>
    return
  }
  func.func @transform_0(%arg0: i32) -> (i32, i32) {
    %c0_i32 = arith.constant 0 : i32
    %c0_i32_0 = arith.constant 0 : i32
    return %arg0, %c0_i32 : i32, i32
  }
  func.func @transform_1(%arg0: i32) -> (i32, i32) {
    %c0_i32 = arith.constant 0 : i32
    %c0_i32_0 = arith.constant 0 : i32
    return %arg0, %c0_i32 : i32, i32
  }
  func.func @transform_2(%arg0: i32) -> (i32, i32) {
    %c0_i32 = arith.constant 0 : i32
    %c0_i32_0 = arith.constant 0 : i32
    return %arg0, %c0_i32 : i32, i32
  }
  func.func @transform_3(%arg0: i32) -> (i32, i32) {
    %c0_i32 = arith.constant 0 : i32
    %c0_i32_0 = arith.constant 0 : i32
    %c0_i32_1 = arith.constant 0 : i32
    return %c0_i32, %c0_i32_0 : i32, i32
  }
}

</mosaic_0001>

<sc_bundles>
// kernel: kernel.5.cloned.1.call-start
scs
__scs_entry_jumppad:
0x0: {  	(pc) =	sbr.rel $0x88, $3  }
0x1: {  	(tag) =	ssettag $0x0;
	lr =	simm.s32 $0x1  }
0x2: {  	[smem:$0x3F9F] =	sst lr;
	_ =	strace $0xD0000000  }
0x3: {  	_ = 	snop  }
0x4: {  	_ = 	snop  }
0x5: {  	_ = 	snop  }
0x6: {  	_ = 	snop  }
0x7: {  	_ = 	snop  }
__scs_overlays_trampoline_lowered:
0x8: {  	[smem:$0x3FAE] =	sst s0  }
0x9: {  	[smem:$0x3FAF] =	sst s1  }
0xa: {  	[smem:$0x3FB0] =	sst s2  }
0xb: {  	[smem:$0x3FB1] =	sst s3  }
0xc: {  	[smem:$0x3FB2] =	sst s4  }
0xd: {  	[smem:$0x3FB3] =	sst s5  }
0xe: {  	[smem:$0x3FB4] =	sst s6  }
0xf: {  	[smem:$0x3FB5] =	sst s7  }
0x10: {  	[smem:$0x3FB6] =	sst s8  }
0x11: {  	[smem:$0x3FB7] =	sst s9;
	s0 =	simm.s32 @!p0 $0x0  }
0x12: {  	s1 =	sld [smem:$0x3F9D];
	s0 =	simm.s32 @p0 $0x1  }
0x13: {  	[smem:$0x3FB8] =	sst s0;
	s0 =	simm.s32 @!p1 $0x0  }
0x14: {  	s2 =	sld [smem:$0x3F9C];
	s0 =	simm.s32 @p1 $0x1  }
0x15: {  	[smem:$0x3FB9] =	sst s0;
	s0 =	simm.s32 @!p2 $0x0  }
0x16: {  	s3 =	sld [smem:$0x3FDB];
	s0 =	simm.s32 @p2 $0x1  }
0x17: {  	s4 =	simm.s32 $0x1BF5;
	[smem:$0x3FBB] =	sst s0  }
0x18: {  	s0 =	sld [smem:$0x3F9E];
	_ =	swait.ge [sflag:s4], $0x0  }
0x19: {  	s7 =	sld [smem:$0x3F9F]  }
0x1a: {  	s8 =	sadd.s32 $0xFFFFE003, lr  }
0x1b: {  	s9 =	sadd.s32 $0xFFFFFEF7, lr;
	s5 =	simm.s32 $0xFFFFFFFF;
	p2 =	slt.u32 s8, $0xFFFFF086  }
0x1c: {  	p1 =	slt.u32 s9, $0xF7A;
	s5 =	simm.s32 @!p2 $0x0  }
0x1d: {  	s5 =	simm.s32 @p1 $0x1;
	p0 =	seq.s32 s7, s2  }
0x1e: {  	s7 =	smul.u32 @!p0 $0xF7A, s2;
	p2 =	seq.s32 @!p0 s5, $0x0  }
0x1f: {  	s9 =	smul.u32 $0xF7A, s1;
	s8 =	simm.s32 @!p0 $0x1BF5;
	p2 =	por !p2, p0  }
0x20: {  	[sflag:s8] =	ssyncset.s32 @!p0 $0xFFFFF086;
	s6 =	sadd.s32 @!p0 s3, s7;
	s7 =	simm.s32 @!p0 $0x108  }
0x21: {  	s3 =	sadd.s32 s3, s9;
	s6 =	sadd.s32 @!p0 $0x88, s6;
	s7 =	simm.s32 @p2 $0x1082  }
0x22: {  	[simem:s7], [sflag:s8] =	dma.local @!p0 [hbm:s6], $0xF7A  }
0x23: {  	s9 =	sor.u32 $0xD0000000, s2;
	s6 =	simm.s32 $0x108;
	_ =	swait.ge @!p0 [sflag:s8], $0x0  }
0x24: {  	s3 =	sadd.s32 $0x88, s3;
	s6 =	simm.s32 @!p1 $0x1082;
	[sflag:s4] =	ssyncset.s32 $0xFFFFF086  }
0x25: {  	[simem:s6], [sflag:s4] =	dma.local [hbm:s3], $0xF7A  }
0x26: {  	[smem:$0x3F9F] =	sst s1;
	(tag) =	ssettag s2;
	_ =	strace s9  }
0x27: {  	s1 =	sld [smem:$0x3FAF]  }
0x28: {  	s2 =	sld [smem:$0x3FB0]  }
0x29: {  	s4 =	sld [smem:$0x3FB2]  }
0x2a: {  	p0 =	seq.s32 s5, $0x0;
	s5 =	sld [smem:$0x3FB3]  }
0x2b: {  	s6 =	sld [smem:$0x3FB4]  }
0x2c: {  	s7 =	sld [smem:$0x3FB5]  }
0x2d: {  	s3 =	simm.s32 $0x108;
	s8 =	sld [smem:$0x3FB6]  }
0x2e: {  	s3 =	simm.s32 @!p0 $0x1082;
	s9 =	sld [smem:$0x3FB7]  }
0x2f: {  	lr =	sadd.s32 s0, s3;
	s0 =	sld [smem:$0x3FAE]  }
0x30: {  	s3 =	sld [smem:$0x3FB1]  }
0x31: {  	[smem:$0x3FBA] =	sst s10  }
0x32: {  	s10 =	sld [smem:$0x3FB8];
	_ =	sdelay $0x3  }
0x33: {  	p0 =	seq.s32 s10, $0x1;
	s10 =	sld [smem:$0x3FBA];
	_ =	sdelay $0x3  }
0x34: {  	[smem:$0x3FBA] =	sst s10  }
0x35: {  	s10 =	sld [smem:$0x3FB9];
	_ =	sdelay $0x3  }
0x36: {  	p1 =	seq.s32 s10, $0x1;
	s10 =	sld [smem:$0x3FBA];
	_ =	sdelay $0x3  }
0x37: {  	[smem:$0x3FBA] =	sst s10  }
0x38: {  	s10 =	sld [smem:$0x3FBB]  }
0x39: {  	_ = 	snop;
	(pc) =	sbr.ind lr, $3  }
0x3a: {  	_ = 	snop  }
0x3b: {  	_ = 	snop  }
0x3c: {  	p2 =	seq.s32 s10, $0x1;
	s10 =	sld [smem:$0x3FBA]  }
0x3d: {  	_ =	shalt  }
0x3e: {  	_ =	shalt  }
0x3f: {  	_ =	shalt  }
0x40: {  	_ =	shalt  }
0x41: {  	_ =	shalt  }
0x42: {  	_ =	shalt  }
0x43: {  	_ =	shalt  }
0x44: {  	_ =	shalt  }
0x45: {  	_ =	shalt  }
0x46: {  	_ =	shalt  }
0x47: {  	_ =	shalt  }
0x48: {  	_ =	shalt  }
0x49: {  	_ =	shalt  }
0x4a: {  	_ =	shalt  }
0x4b: {  	_ =	shalt  }
0x4c: {  	_ =	shalt  }
0x4d: {  	_ =	shalt  }
0x4e: {  	_ =	shalt  }
0x4f: {  	_ =	shalt  }
0x50: {  	_ =	shalt  }
0x51: {  	_ =	shalt  }
0x52: {  	_ =	shalt  }
0x53: {  	_ =	shalt  }
0x54: {  	_ =	shalt  }
0x55: {  	_ =	shalt  }
0x56: {  	_ =	shalt  }
0x57: {  	_ =	shalt  }
0x58: {  	_ =	shalt  }
0x59: {  	_ =	shalt  }
0x5a: {  	_ =	shalt  }
0x5b: {  	_ =	shalt  }
0x5c: {  	_ =	shalt  }
0x5d: {  	_ =	shalt  }
0x5e: {  	_ =	shalt  }
0x5f: {  	_ =	shalt  }
0x60: {  	_ =	shalt  }
0x61: {  	_ =	shalt  }
0x62: {  	_ =	shalt  }
0x63: {  	_ =	shalt  }
0x64: {  	_ =	shalt  }
0x65: {  	_ =	shalt  }
0x66: {  	_ =	shalt  }
0x67: {  	_ =	shalt  }
0x68: {  	_ =	shalt  }
0x69: {  	_ =	shalt  }
0x6a: {  	_ =	shalt  }
0x6b: {  	_ =	shalt  }
0x6c: {  	_ =	shalt  }
0x6d: {  	_ =	shalt  }
0x6e: {  	_ =	shalt  }
0x6f: {  	_ =	shalt  }
0x70: {  	_ =	shalt  }
0x71: {  	_ =	shalt  }
0x72: {  	_ =	shalt  }
0x73: {  	_ =	shalt  }
0x74: {  	_ =	shalt  }
0x75: {  	_ =	shalt  }
0x76: {  	_ =	shalt  }
0x77: {  	_ =	shalt  }
0x78: {  	_ =	shalt  }
0x79: {  	_ =	shalt  }
0x7a: {  	_ =	shalt  }
0x7b: {  	_ =	shalt  }
0x7c: {  	_ =	shalt  }
0x7d: {  	_ =	shalt  }
0x7e: {  	_ =	shalt  }
0x7f: {  	_ =	shalt  }
0x80: {  	_ =	shalt  }
0x81: {  	_ =	shalt  }
0x82: {  	_ =	shalt  }
0x83: {  	_ =	shalt  }
0x84: {  	_ =	shalt  }
0x85: {  	_ =	shalt  }
0x86: {  	_ =	shalt  }
0x87: {  	_ =	shalt  }
.Lfunc_end0:
.L_simem_size_0:
called_computation_lowered:
.L_overlay_start_0:
0x88: {  	s2 =	sld [smem:$0x3FD9]  }
0x89: {  	s3 =	sld [smem:$0x3FFE];
	_ =	sdelay $0x1  }
0x8a: {  	s1 =	srdreg.scid  }
0x8b: {  	s0 =	sand.u32 $0x1, s1  }
0x8c: {  	s14 =	sshll.u32 s0, $0xA;
	s2 =	sadd.s32 s3, s2  }
0x8d: {  	s2 =	sadd.s32 s2, s14  }
0x8e: {  	[smem:$0x3FC6] =	sst s2  }
0x8f: {  	_ = 	snop  }
0x90: {  	s2 =	sld [smem:$0x3FD0];
	_ =	sdelay $0x2  }
0x91: {  	s15 =	simm.s32 $0xA;
	s4 =	simm.s32 $0x10  }
0x92: {  	[smem:s4], [sflag:s15] =	dma.local [hbm:s2], $0x1  }
0x93: {  	_ =	swait.eq [sflag:s15], $0x1  }
0x94: {  	[sflag:s15] =	ssyncset.done $0x0  }
0x95: {  	[sflag:s15] =	ssyncadd.s32 $0xFFFFFFFF  }
0x96: {  	s16 =	sld [smem:$0x10];
	(tm) =	ssettm $0x1  }
0x97: {  	s17 =	sld [smem:$0x3FFB];
	_ =	sdelay $0x3  }
0x98: {  	_ =	strace s17  }
0x99: {  	s3 =	sld [smem:$0x3FFC];
	_ =	sdelay $0x3  }
0x9a: {  	_ =	strace s3  }
0x9b: {  	s3 =	sld [smem:$0x3FFD];
	_ =	sdelay $0x3  }
0x9c: {  	_ =	strace s3  }
0x9d: {  	_ =	strace $0x8FFFFFFF  }
0x9e: {  	s18 =	sld [smem:$0x3FDB];
	_ =	sdelay $0x1  }
0x9f: {  	s19 =	simm.s32 $_scs_section_size  }
0xa0: {  	s5 =	simm.s32 $_size__tile_overlayer_lowered;
	s6 =	simm.s32 $_tile_overlayer_lowered  }
0xa1: {  	s22 =	simm.s32 $0x1BFF;
	s21 =	sshll.u32 s6, $0x1;
	s3 =	sadd.s32 s19, s18  }
0xa2: {  	s7 =	simm.s32 $0x0;
	s20 =	sshll.u32 s5, $0x1;
	s5 =	sadd.s32 s21, s3  }
0xa3: {  	[timem:s7], [sflag:s22] =	dma.local [hbm:s5], s20  }
0xa4: {  	_ =	swait.ge [sflag:s22], s20  }
0xa5: {  	s4 =	ssub.s32 $0x0, s20;
	[sflag:s22] =	ssyncset.done $0x0  }
0xa6: {  	[sflag:s22] =	ssyncadd.s32 s4;
	_ =	sdelay $0x1  }
0xa7: {  	s23 =	simm.s32 $0x1B8B  }
0xa8: {  	_ =	swait.ge [sflag:s23], $0x1  }
0xa9: {  	[sflag:s23] =	ssyncset.done $0x0  }
0xaa: {  	s25 =	simm.s32 $0x1B8E;
	s24 =	sld [smem:$0x3FFE];
	[sflag:s23] =	ssyncadd.s32 $0xFFFFFFFF  }
0xab: {  	s26 =	simm.s32 $execute0_lowered;
	[smem:$0x3FD2] =	sst s25  }
0xac: {  	s5 =	sshll.u32 s26, $0x1;
	_ =	strace $0x80000046;
	[dreg:$0x1] =	wrdreg $0xFFFFFFFF  }
0xad: {  	s28 =	simm.s32 $_size_execute0_lowered;
	s3 =	sadd.s32 s3, s5;
	[dreg:$0x0] =	wrdreg $0x0  }
0xae: {  	s5 =	sshll.u32 s28, $0x1;
	[dreg:$0x2] =	wrdreg s3  }
0xaf: {  	[dreg:$0x3] =	wrdreg s5  }
0xb0: {  	[dreg:$0x4] =	wrdreg $0xC0  }
0xb1: {  	_ =	task [dreg:s7], $0x5FFFF  }
0xb2: {  	[dreg:$0x1] =	wrdreg $0xFFFFFFFF  }
0xb3: {  	[dreg:$0x0] =	wrdreg $0x60  }
0xb4: {  	[dreg:$0x2] =	wrdreg s16  }
0xb5: {  	[dreg:$0x3] =	wrdreg s24  }
0xb6: {  	[dreg:$0x4] =	wrdreg $0x9  }
0xb7: {  	_ =	task.clear_ibuf [dreg:s7], $0x5FFFF;
	_ =	strace $0x90000046  }
0xb8: {  	s29 =	simm.s32 $0x9;
	_ =	strace $0x80000048  }
0xb9: {  	_ =	swait.ge [sflag:s29], $0x1  }
0xba: {  	[sflag:s29] =	ssyncadd.s32 $0xFFFFFFFF  }
0xbb: {  	_ =	strace $0x90000048  }
0xbc: {  	_ =	sfence  }
0xbd: {  	s30 =	sld [smem:$0x0];
	_ =	sdelay $0x2  }
0xbe: {  	s31 =	sshll.u32 s1, $0xD;
	s1 =	sshrl.u32 s1, $0x2  }
0xbf: {  	s3 =	sand.u32 $0x4000, s31;
	s1 =	sadd.s32 s1, s30  }
0xc0: {  	s0 =	sor.u32 s3, s0;
	s1 =	sshll.u32 s1, $0x11  }
0xc1: {  	s0 =	sor.u32 s1, s0  }
0xc2: {  	s0 =	sadd.s32 $0x8F2B, s0  }
0xc3: {  	[sflag:s0] =	ssyncadd.remote.s32 $0x1  }
0xc4: {  	_ =	sfence.sel $0xFFFF  }
0xc5: {  	[dreg:$0x0] =	wrdreg $0xFFFFFFFF;
	(pc) =	sbr.abs _section_cstart, $3  }
0xc6: {  	[dreg:$0x1] =	wrdreg $0xFFFFFFFF  }
0xc7: {  	_ =	task.clear_ibuf [dreg:s7], $0x2FFFF;
	_ =	strace $0x9FFFFFFF  }
0xc8: {  	(tm) =	ssettm $0x7FFFFFFF  }
0xc9: {  	_ =	shalt  }
tec
execute0_lowered:
.L_overlay_start_1:
0x0: {  	(tag) =	ssettag $0x1  }
0x1: {  	s1 =	srdreg.scid  }
0x2: {  	s2 =	rddreg [dreg:$0x0];
	s0 =	stileid.u32;
	s29 =	sand.u32 $0x1, s1  }
0x3: {  	s11 =	rddreg [dreg:$0x1];
	s4 =	sshll.u32 s0, $0xC;
	s5 =	sshll.u32 s29, $0xB  }
0x4: {  	s3 =	simm.s32 $0x0;
	s1 =	rddreg [dreg:$0x2];
	s26 =	sor.u32 s5, s4  }
0x5: {  	[smem:$0x7FF] =	sst s3;
	s25 =	sadd.s32 $0x300600, s11;
	s4 =	sshrl.u32 s26, $0x3  }
0x6: {  	_ =	strace $0x80000047;
	s5 =	simm.s32 $0x5;
	s4 =	sadd.s32 s25, s4  }
0x7: {  	[tilespmem:s3], [sflag:$0x5] =	stream.linear.gather [hbm4b:s4+s3], $0x100, $0x38;
	[tilespmem:$0x10200] =	vst v63  }
0x8: {  	_ =	swait.ge [sflag:s5], $0x100  }
0x9: {  	s6 =	simm.s32 $0x100;
	s15 =	sor.u32 $0x100, s26;
	[sflag:s5] =	ssyncset.done $0x0  }
0xa: {  	s7 =	simm.s32 $0x200;
	s8 =	sshrl.u32 s15, $0x3;
	[sflag:s5] =	ssyncadd.s32 $0xFFFFFF00  }
0xb: {  	[tilespmem:s7], [sflag:$0x1] =	stream.indirect.gather [hbm4b:s2+s6], $0x80, s3, s6, $0xb8;
	[tilespmem:$0x10200] =	vst v63  }
0xc: {  	s8 =	sadd.s32 s25, s8  }
0xd: {  	[tilespmem:s6], [sflag:$0x5] =	stream.linear.gather [hbm4b:s8+s3], $0x100, $0x38;
	[tilespmem:$0x10200] =	vst v63  }
0xe: {  	_ =	swait.ge [sflag:s5], $0x100  }
0xf: {  	[sflag:s5] =	ssyncset.done $0x0  }
0x10: {  	s9 =	simm.s32 $0x8200;
	s10 =	simm.s32 $0x1;
	[sflag:s5] =	ssyncadd.s32 $0xFFFFFF00  }
0x11: {  	[tilespmem:s9], [sflag:$0x2] =	stream.indirect.gather [hbm4b:s2+s6], $0x80, s6, s6, $0xb8;
	[tilespmem:$0x10200] =	vst v63  }
0x12: {  	_ =	swait.ge [sflag:s10], $0x8000  }
0x13: {  	s28 =	sadd.s32 $0x100600, s11;
	s24 =	sshll.u32 s26, $0x4;
	[sflag:s10] =	ssyncset.done $0x0  }
0x14: {  	s12 =	simm.s32 $0x3;
	s11 =	sadd.s32 s28, s24;
	[sflag:s10] =	ssyncadd.s32 $0xFFFF8000  }
0x15: {  	[hbm4b:s11+s3] =	stream.linear.scatter [tilespmem:s7], [sflag:$0x3], $0x8000, $0x38;
	[tilespmem:$0x10200] =	vst v63  }
0x16: {  	s18 =	sor.u32 $0x200, s26;
	_ =	swait.ge [sflag:s12], $0x8000  }
0x17: {  	s13 =	sshrl.u32 s18, $0x3;
	[sflag:s12] =	ssyncset.done $0x0  }
0x18: {  	s13 =	sadd.s32 s25, s13;
	[sflag:s12] =	ssyncadd.s32 $0xFFFF8000  }
0x19: {  	[tilespmem:s3], [sflag:$0x5] =	stream.linear.gather [hbm4b:s13+s3], $0x100, $0x38;
	[tilespmem:$0x10200] =	vst v63  }
0x1a: {  	_ =	swait.ge [sflag:s5], $0x100  }
0x1b: {  	[sflag:s5] =	ssyncset.done $0x0  }
0x1c: {  	s14 =	simm.s32 $0x2;
	[sflag:s5] =	ssyncadd.s32 $0xFFFFFF00  }
0x1d: {  	[tilespmem:s7], [sflag:$0x1] =	stream.indirect.gather [hbm4b:s2+s6], $0x80, s3, s6, $0xb8;
	[tilespmem:$0x10200] =	vst v63  }
0x1e: {  	_ =	swait.ge [sflag:s14], $0x8000  }
0x1f: {  	s15 =	sshll.u32 s15, $0x4;
	[sflag:s14] =	ssyncset.done $0x0  }
0x20: {  	s16 =	sadd.s32 s28, s15;
	s15 =	simm.s32 $0x4;
	[sflag:s14] =	ssyncadd.s32 $0xFFFF8000  }
0x21: {  	[hbm4b:s16+s3] =	stream.linear.scatter [tilespmem:s9], [sflag:$0x4], $0x8000, $0x38;
	[tilespmem:$0x10200] =	vst v63  }
0x22: {  	s20 =	sor.u32 $0x300, s26;
	_ =	swait.ge [sflag:s15], $0x8000  }
0x23: {  	s17 =	sshrl.u32 s20, $0x3;
	[sflag:s15] =	ssyncset.done $0x0  }
0x24: {  	s17 =	sadd.s32 s25, s17;
	[sflag:s15] =	ssyncadd.s32 $0xFFFF8000  }
0x25: {  	[tilespmem:s6], [sflag:$0x5] =	stream.linear.gather [hbm4b:s17+s3], $0x100, $0x38;
	[tilespmem:$0x10200] =	vst v63  }
0x26: {  	_ =	swait.ge [sflag:s5], $0x100  }
0x27: {  	[sflag:s5] =	ssyncset.done $0x0  }
0x28: {  	[sflag:s5] =	ssyncadd.s32 $0xFFFFFF00  }
0x29: {  	[tilespmem:s9], [sflag:$0x2] =	stream.indirect.gather [hbm4b:s2+s6], $0x80, s6, s6, $0xb8;
	[tilespmem:$0x10200] =	vst v63  }
0x2a: {  	_ =	swait.ge [sflag:s10], $0x8000  }
0x2b: {  	s18 =	sshll.u32 s18, $0x4;
	[sflag:s10] =	ssyncset.done $0x0  }
0x2c: {  	s18 =	sadd.s32 s28, s18;
	[sflag:s10] =	ssyncadd.s32 $0xFFFF8000  }
0x2d: {  	[hbm4b:s18+s3] =	stream.linear.scatter [tilespmem:s7], [sflag:$0x3], $0x8000, $0x38;
	[tilespmem:$0x10200] =	vst v63  }
0x2e: {  	s22 =	sor.u32 $0x400, s26;
	_ =	swait.ge [sflag:s12], $0x8000  }
0x2f: {  	s19 =	sshrl.u32 s22, $0x3;
	[sflag:s12] =	ssyncset.done $0x0  }
0x30: {  	s19 =	sadd.s32 s25, s19;
	[sflag:s12] =	ssyncadd.s32 $0xFFFF8000  }
0x31: {  	[tilespmem:s3], [sflag:$0x5] =	stream.linear.gather [hbm4b:s19+s3], $0x100, $0x38;
	[tilespmem:$0x10200] =	vst v63  }
0x32: {  	_ =	swait.ge [sflag:s5], $0x100  }
0x33: {  	[sflag:s5] =	ssyncset.done $0x0  }
0x34: {  	[sflag:s5] =	ssyncadd.s32 $0xFFFFFF00  }
0x35: {  	[tilespmem:s7], [sflag:$0x1] =	stream.indirect.gather [hbm4b:s2+s6], $0x80, s3, s6, $0xb8;
	[tilespmem:$0x10200] =	vst v63  }
0x36: {  	_ =	swait.ge [sflag:s14], $0x8000  }
0x37: {  	s20 =	sshll.u32 s20, $0x4;
	[sflag:s14] =	ssyncset.done $0x0  }
0x38: {  	s20 =	sadd.s32 s28, s20;
	[sflag:s14] =	ssyncadd.s32 $0xFFFF8000  }
0x39: {  	[hbm4b:s20+s3] =	stream.linear.scatter [tilespmem:s9], [sflag:$0x4], $0x8000, $0x38;
	[tilespmem:$0x10200] =	vst v63  }
0x3a: {  	s24 =	sor.u32 $0x500, s26;
	_ =	swait.ge [sflag:s15], $0x8000  }
0x3b: {  	s21 =	sshrl.u32 s24, $0x3;
	[sflag:s15] =	ssyncset.done $0x0  }
0x3c: {  	s21 =	sadd.s32 s25, s21;
	[sflag:s15] =	ssyncadd.s32 $0xFFFF8000  }
0x3d: {  	[tilespmem:s6], [sflag:$0x5] =	stream.linear.gather [hbm4b:s21+s3], $0x100, $0x38;
	[tilespmem:$0x10200] =	vst v63  }
0x3e: {  	_ =	swait.ge [sflag:s5], $0x100  }
0x3f: {  	[sflag:s5] =	ssyncset.done $0x0  }
0x40: {  	[sflag:s5] =	ssyncadd.s32 $0xFFFFFF00  }
0x41: {  	[tilespmem:s9], [sflag:$0x2] =	stream.indirect.gather [hbm4b:s2+s6], $0x80, s6, s6, $0xb8;
	[tilespmem:$0x10200] =	vst v63  }
0x42: {  	_ =	swait.ge [sflag:s10], $0x8000  }
0x43: {  	s22 =	sshll.u32 s22, $0x4;
	[sflag:s10] =	ssyncset.done $0x0  }
0x44: {  	s22 =	sadd.s32 s28, s22;
	[sflag:s10] =	ssyncadd.s32 $0xFFFF8000  }
0x45: {  	[hbm4b:s22+s3] =	stream.linear.scatter [tilespmem:s7], [sflag:$0x3], $0x8000, $0x38;
	[tilespmem:$0x10200] =	vst v63  }
0x46: {  	s30 =	sor.u32 $0x600, s26;
	_ =	swait.ge [sflag:s12], $0x8000  }
0x47: {  	s23 =	sshrl.u32 s30, $0x3;
	[sflag:s12] =	ssyncset.done $0x0  }
0x48: {  	s23 =	sadd.s32 s25, s23;
	[sflag:s12] =	ssyncadd.s32 $0xFFFF8000  }
0x49: {  	[tilespmem:s3], [sflag:$0x5] =	stream.linear.gather [hbm4b:s23+s3], $0x100, $0x38;
	[tilespmem:$0x10200] =	vst v63  }
0x4a: {  	_ =	swait.ge [sflag:s5], $0x100  }
0x4b: {  	[sflag:s5] =	ssyncset.done $0x0  }
0x4c: {  	[sflag:s5] =	ssyncadd.s32 $0xFFFFFF00  }
0x4d: {  	[tilespmem:s7], [sflag:$0x1] =	stream.indirect.gather [hbm4b:s2+s6], $0x80, s3, s6, $0xb8;
	[tilespmem:$0x10200] =	vst v63  }
0x4e: {  	_ =	swait.ge [sflag:s14], $0x8000  }
0x4f: {  	s24 =	sshll.u32 s24, $0x4;
	[sflag:s14] =	ssyncset.done $0x0  }
0x50: {  	s24 =	sadd.s32 s28, s24;
	[sflag:s14] =	ssyncadd.s32 $0xFFFF8000  }
0x51: {  	[hbm4b:s24+s3] =	stream.linear.scatter [tilespmem:s9], [sflag:$0x4], $0x8000, $0x38;
	[tilespmem:$0x10200] =	vst v63  }
0x52: {  	s31 =	sor.u32 $0x700, s26;
	_ =	swait.ge [sflag:s15], $0x8000  }
0x53: {  	s26 =	sshrl.u32 s31, $0x3;
	[sflag:s15] =	ssyncset.done $0x0  }
0x54: {  	s25 =	sadd.s32 s25, s26;
	[sflag:s15] =	ssyncadd.s32 $0xFFFF8000  }
0x55: {  	[tilespmem:s6], [sflag:$0x5] =	stream.linear.gather [hbm4b:s25+s3], $0x100, $0x38;
	[tilespmem:$0x10200] =	vst v63  }
0x56: {  	_ =	swait.ge [sflag:s5], $0x100  }
0x57: {  	[sflag:s5] =	ssyncset.done $0x0  }
0x58: {  	[sflag:s5] =	ssyncadd.s32 $0xFFFFFF00  }
0x59: {  	[tilespmem:s9], [sflag:$0x2] =	stream.indirect.gather [hbm4b:s2+s6], $0x80, s6, s6, $0xb8;
	[tilespmem:$0x10200] =	vst v63  }
0x5a: {  	s29 =	ssub.s32 $0x2, s29;
	s30 =	sshll.u32 s30, $0x4;
	_ =	swait.ge [sflag:s10], $0x8000  }
0x5b: {  	s31 =	sshll.u32 s31, $0x4;
	s26 =	sadd.s32 s28, s30;
	[sflag:s10] =	ssyncset.done $0x0  }
0x5c: {  	s28 =	sadd.s32 s28, s31;
	s31 =	sshrl.u32 s29, $0x1;
	[sflag:s10] =	ssyncadd.s32 $0xFFFF8000  }
0x5d: {  	[hbm4b:s26+s3] =	stream.linear.scatter [tilespmem:s7], [sflag:$0x3], $0x8000, $0x38;
	[tilespmem:$0x10200] =	vst v63  }
0x5e: {  	s29 =	ssub.s32 s29, s31;
	_ =	swait.ge [sflag:s14], $0x8000  }
0x5f: {  	s29 =	smax.u32 s29, $0x1;
	[sflag:s14] =	ssyncset.done $0x0  }
0x60: {  	p0 =	sne.s32 s29, $0x1;
	[sflag:s14] =	ssyncadd.s32 $0xFFFF8000  }
0x61: {  	[hbm4b:s28+s3] =	stream.linear.scatter [tilespmem:s9], [sflag:$0x4], $0x8000, $0x38;
	[tilespmem:$0x10200] =	vst v63  }
.Ltmp0:
0x62: {  	_ =	swait.ge [sflag:s12], $0x8000;
	(pc) =	sbr.rel @!p0 .LBB2_2-.Ltmp0, $4  }
0x63: {  	[sflag:s12] =	ssyncset.done $0x0  }
0x64: {  	[sflag:s12] =	ssyncadd.s32 $0xFFFF8000  }
0x65: {  	_ =	swait.ge [sflag:s15], $0x8000  }
0x66: {  	s29 =	sadd.s32 $0xFFFFFFFF, s29;
	[sflag:s15] =	ssyncset.done $0x0  }
.LBB2_1:
0x67: {  	p0 =	sne.s32 s29, $0x1;
	s29 =	sadd.s32 $0xFFFFFFFF, s29;
	[sflag:s15] =	ssyncadd.s32 $0xFFFF8000  }
0x68: {  	[tilespmem:s3], [sflag:$0x5] =	stream.linear.gather [hbm4b:s4+s3], $0x100, $0x38;
	[tilespmem:$0x10200] =	vst v63  }
0x69: {  	_ =	swait.ge [sflag:s5], $0x100  }
0x6a: {  	[sflag:s5] =	ssyncset.done $0x0  }
0x6b: {  	[sflag:s5] =	ssyncadd.s32 $0xFFFFFF00  }
0x6c: {  	[tilespmem:s7], [sflag:$0x1] =	stream.indirect.gather [hbm4b:s2+s6], $0x80, s3, s6, $0xb8;
	[tilespmem:$0x10200] =	vst v63  }
0x6d: {  	_ = 	snop  }
0x6e: {  	[tilespmem:s6], [sflag:$0x5] =	stream.linear.gather [hbm4b:s8+s3], $0x100, $0x38;
	[tilespmem:$0x10200] =	vst v63  }
0x6f: {  	_ =	swait.ge [sflag:s5], $0x100  }
0x70: {  	[sflag:s5] =	ssyncset.done $0x0  }
0x71: {  	[sflag:s5] =	ssyncadd.s32 $0xFFFFFF00  }
0x72: {  	[tilespmem:s9], [sflag:$0x2] =	stream.indirect.gather [hbm4b:s2+s6], $0x80, s6, s6, $0xb8;
	[tilespmem:$0x10200] =	vst v63  }
0x73: {  	_ =	swait.ge [sflag:s10], $0x8000  }
0x74: {  	[sflag:s10] =	ssyncset.done $0x0  }
0x75: {  	[sflag:s10] =	ssyncadd.s32 $0xFFFF8000  }
0x76: {  	[hbm4b:s11+s3] =	stream.linear.scatter [tilespmem:s7], [sflag:$0x3], $0x8000, $0x38;
	[tilespmem:$0x10200] =	vst v63  }
0x77: {  	_ =	swait.ge [sflag:s12], $0x8000  }
0x78: {  	[sflag:s12] =	ssyncset.done $0x0  }
0x79: {  	[sflag:s12] =	ssyncadd.s32 $0xFFFF8000  }
0x7a: {  	[tilespmem:s3], [sflag:$0x5] =	stream.linear.gather [hbm4b:s13+s3], $0x100, $0x38;
	[tilespmem:$0x10200] =	vst v63  }
0x7b: {  	_ =	swait.ge [sflag:s5], $0x100  }
0x7c: {  	[sflag:s5] =	ssyncset.done $0x0  }
0x7d: {  	[sflag:s5] =	ssyncadd.s32 $0xFFFFFF00  }
0x7e: {  	[tilespmem:s7], [sflag:$0x1] =	stream.indirect.gather [hbm4b:s2+s6], $0x80, s3, s6, $0xb8;
	[tilespmem:$0x10200] =	vst v63  }
0x7f: {  	_ =	swait.ge [sflag:s14], $0x8000  }
0x80: {  	[sflag:s14] =	ssyncset.done $0x0  }
0x81: {  	[sflag:s14] =	ssyncadd.s32 $0xFFFF8000  }
0x82: {  	[hbm4b:s16+s3] =	stream.linear.scatter [tilespmem:s9], [sflag:$0x4], $0x8000, $0x38;
	[tilespmem:$0x10200] =	vst v63  }
0x83: {  	_ =	swait.ge [sflag:s15], $0x8000  }
0x84: {  	[sflag:s15] =	ssyncset.done $0x0  }
0x85: {  	[sflag:s15] =	ssyncadd.s32 $0xFFFF8000  }
0x86: {  	[tilespmem:s6], [sflag:$0x5] =	stream.linear.gather [hbm4b:s17+s3], $0x100, $0x38;
	[tilespmem:$0x10200] =	vst v63  }
0x87: {  	_ =	swait.ge [sflag:s5], $0x100  }
0x88: {  	[sflag:s5] =	ssyncset.done $0x0  }
0x89: {  	[sflag:s5] =	ssyncadd.s32 $0xFFFFFF00  }
0x8a: {  	[tilespmem:s9], [sflag:$0x2] =	stream.indirect.gather [hbm4b:s2+s6], $0x80, s6, s6, $0xb8;
	[tilespmem:$0x10200] =	vst v63  }
0x8b: {  	_ =	swait.ge [sflag:s10], $0x8000  }
0x8c: {  	[sflag:s10] =	ssyncset.done $0x0  }
0x8d: {  	[sflag:s10] =	ssyncadd.s32 $0xFFFF8000  }
0x8e: {  	[hbm4b:s18+s3] =	stream.linear.scatter [tilespmem:s7], [sflag:$0x3], $0x8000, $0x38;
	[tilespmem:$0x10200] =	vst v63  }
0x8f: {  	_ =	swait.ge [sflag:s12], $0x8000  }
0x90: {  	[sflag:s12] =	ssyncset.done $0x0  }
0x91: {  	[sflag:s12] =	ssyncadd.s32 $0xFFFF8000  }
0x92: {  	[tilespmem:s3], [sflag:$0x5] =	stream.linear.gather [hbm4b:s19+s3], $0x100, $0x38;
	[tilespmem:$0x10200] =	vst v63  }
0x93: {  	_ =	swait.ge [sflag:s5], $0x100  }
0x94: {  	[sflag:s5] =	ssyncset.done $0x0  }
0x95: {  	[sflag:s5] =	ssyncadd.s32 $0xFFFFFF00  }
0x96: {  	[tilespmem:s7], [sflag:$0x1] =	stream.indirect.gather [hbm4b:s2+s6], $0x80, s3, s6, $0xb8;
	[tilespmem:$0x10200] =	vst v63  }
0x97: {  	_ =	swait.ge [sflag:s14], $0x8000  }
0x98: {  	[sflag:s14] =	ssyncset.done $0x0  }
0x99: {  	[sflag:s14] =	ssyncadd.s32 $0xFFFF8000  }
0x9a: {  	[hbm4b:s20+s3] =	stream.linear.scatter [tilespmem:s9], [sflag:$0x4], $0x8000, $0x38;
	[tilespmem:$0x10200] =	vst v63  }
0x9b: {  	_ =	swait.ge [sflag:s15], $0x8000  }
0x9c: {  	[sflag:s15] =	ssyncset.done $0x0  }
0x9d: {  	[sflag:s15] =	ssyncadd.s32 $0xFFFF8000  }
0x9e: {  	[tilespmem:s6], [sflag:$0x5] =	stream.linear.gather [hbm4b:s21+s3], $0x100, $0x38;
	[tilespmem:$0x10200] =	vst v63  }
0x9f: {  	_ =	swait.ge [sflag:s5], $0x100  }
0xa0: {  	[sflag:s5] =	ssyncset.done $0x0  }
0xa1: {  	[sflag:s5] =	ssyncadd.s32 $0xFFFFFF00  }
0xa2: {  	[tilespmem:s9], [sflag:$0x2] =	stream.indirect.gather [hbm4b:s2+s6], $0x80, s6, s6, $0xb8;
	[tilespmem:$0x10200] =	vst v63  }
0xa3: {  	_ =	swait.ge [sflag:s10], $0x8000  }
0xa4: {  	[sflag:s10] =	ssyncset.done $0x0  }
0xa5: {  	[sflag:s10] =	ssyncadd.s32 $0xFFFF8000  }
0xa6: {  	[hbm4b:s22+s3] =	stream.linear.scatter [tilespmem:s7], [sflag:$0x3], $0x8000, $0x38;
	[tilespmem:$0x10200] =	vst v63  }
0xa7: {  	_ =	swait.ge [sflag:s12], $0x8000  }
0xa8: {  	[sflag:s12] =	ssyncset.done $0x0  }
0xa9: {  	[sflag:s12] =	ssyncadd.s32 $0xFFFF8000  }
0xaa: {  	[tilespmem:s3], [sflag:$0x5] =	stream.linear.gather [hbm4b:s23+s3], $0x100, $0x38;
	[tilespmem:$0x10200] =	vst v63  }
0xab: {  	_ =	swait.ge [sflag:s5], $0x100  }
0xac: {  	[sflag:s5] =	ssyncset.done $0x0  }
0xad: {  	[sflag:s5] =	ssyncadd.s32 $0xFFFFFF00  }
0xae: {  	[tilespmem:s7], [sflag:$0x1] =	stream.indirect.gather [hbm4b:s2+s6], $0x80, s3, s6, $0xb8;
	[tilespmem:$0x10200] =	vst v63  }
0xaf: {  	_ =	swait.ge [sflag:s14], $0x8000  }
0xb0: {  	[sflag:s14] =	ssyncset.done $0x0  }
0xb1: {  	[sflag:s14] =	ssyncadd.s32 $0xFFFF8000  }
0xb2: {  	[hbm4b:s24+s3] =	stream.linear.scatter [tilespmem:s9], [sflag:$0x4], $0x8000, $0x38;
	[tilespmem:$0x10200] =	vst v63  }
0xb3: {  	_ =	swait.ge [sflag:s15], $0x8000  }
0xb4: {  	[sflag:s15] =	ssyncset.done $0x0  }
0xb5: {  	[sflag:s15] =	ssyncadd.s32 $0xFFFF8000  }
0xb6: {  	[tilespmem:s6], [sflag:$0x5] =	stream.linear.gather [hbm4b:s25+s3], $0x100, $0x38;
	[tilespmem:$0x10200] =	vst v63  }
0xb7: {  	_ =	swait.ge [sflag:s5], $0x100  }
0xb8: {  	[sflag:s5] =	ssyncset.done $0x0  }
0xb9: {  	[sflag:s5] =	ssyncadd.s32 $0xFFFFFF00  }
0xba: {  	[tilespmem:s9], [sflag:$0x2] =	stream.indirect.gather [hbm4b:s2+s6], $0x80, s6, s6, $0xb8;
	[tilespmem:$0x10200] =	vst v63  }
0xbb: {  	_ =	swait.ge [sflag:s10], $0x8000  }
0xbc: {  	[sflag:s10] =	ssyncset.done $0x0  }
0xbd: {  	[sflag:s10] =	ssyncadd.s32 $0xFFFF8000  }
0xbe: {  	[hbm4b:s26+s3] =	stream.linear.scatter [tilespmem:s7], [sflag:$0x3], $0x8000, $0x38;
	[tilespmem:$0x10200] =	vst v63  }
0xbf: {  	_ =	swait.ge [sflag:s14], $0x8000  }
0xc0: {  	[sflag:s14] =	ssyncset.done $0x0  }
0xc1: {  	[sflag:s14] =	ssyncadd.s32 $0xFFFF8000  }
0xc2: {  	[hbm4b:s28+s3] =	stream.linear.scatter [tilespmem:s9], [sflag:$0x4], $0x8000, $0x38;
	[tilespmem:$0x10200] =	vst v63  }
.Ltmp1:
0xc3: {  	_ =	swait.ge [sflag:s12], $0x8000;
	(pc) =	sbr.rel @p0 .LBB2_1-.Ltmp1, $4  }
0xc4: {  	[sflag:s12] =	ssyncset.done $0x0  }
0xc5: {  	[sflag:s12] =	ssyncadd.s32 $0xFFFF8000  }
0xc6: {  	_ =	swait.ge [sflag:s15], $0x8000  }
0xc7: {  	[sflag:s15] =	ssyncset.done $0x0  }
.LBB2_2:
0xc8: {  	[sflag:s15] =	ssyncadd.s32 $0xFFFF8000  }
0xc9: {  	_ =	sfence.sel $0x180000  }
0xca: {  	[bflag:$0x0] =	sbarrier.arrive $0xFFFF  }
0xcb: {  	p0 =	sne.s32 s0, $0x0;
	_ =	strace $0x90000047  }
0xcc: {  	s0 =	sadd.s32 @!p0 $0x100000, s1;
	[bflag:$0x2] =	sbarrier.arrive $0xFFFF  }
0xcd: {  	[sflag:s0] =	ssyncadd.tile.s32 @!p0 $0x1;
	_ =	shalt  }
.Lfunc_end2:
_tile_overlayer_lowered:
.L_overlay_start_2:
0xce: {  	(tag) =	ssettag $0x2  }
0xcf: {  	s0 =	rddreg [dreg:$0x0];
	s2 =	stileid.u32  }
0xd0: {  	s1 =	rddreg [dreg:$0x1];
	p0 =	sne.s32 s2, $0x0  }
0xd1: {  	s3 =	rddreg [dreg:$0x2];
	[bflag:$0x3] =	sbarrier.arrive $0xFFFF;
	s2 =	simm.s32 @!p0 $0x1C05  }
0xd2: {  	[timem:s3], [sflag:s2] =	dma.local @!p0 [hbm:s0], s1  }
0xd3: {  	s0 =	simm.s32 @!p0 $0x5  }
0xd4: {  	_ =	swait.ge @!p0 [sflag:s0], s1  }
0xd5: {  	s1 =	ssub.s32 @!p0 $0x0, s1;
	[sflag:s0] =	ssyncset.done @!p0 $0x0  }
0xd6: {  	[sflag:s0] =	ssyncadd.s32 @!p0 s1  }
0xd7: {  	[bflag:$0x3] =	sbarrier.arrive $0xFFFF  }
0xd8: {  	_ =	shalt  }

</sc_bundles>
